<compile_context>
chip_gen: v7x
topology: tpu7x:2x2x1
jax: 0.10.2.dev20260603
libtpu: 0.0.44.dev20260713+nightly
codegen_flags: <defaults>
</compile_context>

<pallas_src>
import functools

import jax
import jax.numpy as jnp
from jax import lax
from jax.experimental import pallas as pl
from jax.experimental.pallas import tpu as pltpu
from jax.experimental.pallas import tpu_sc as plsc

_VOCAB = 1000000
_D = 32
_B = 16384

_info = plsc.get_sparse_core_info()
_NC, _NS = _info.num_cores, _info.num_subcores
_NW = _NC * _NS
_BPW = _B // _NW
_RING = 8

_mesh = plsc.VectorSubcoreMesh(core_axis_name="c", subcore_axis_name="s")


@functools.partial(
    pl.kernel,
    mesh=_mesh,
    out_type=jax.ShapeDtypeStruct((_D, _B), jnp.float32),
    scratch_types=[
        pltpu.VMEM((_BPW,), jnp.int32),
        pltpu.VMEM((_RING, 4, 8, 128), jnp.float32),
        pltpu.VMEM((4, 8, _BPW), jnp.float32),
        pltpu.SemaphoreType.DMA((_RING,)),
    ],
    compiler_params=pltpu.CompilerParams(
        use_tc_tiling_on_sc=True, needs_layout_passes=False
    ),
)
def _sc_gather(table_hbm, idx_hbm, out_hbm, idx_v, blk_v, cols_v, sems):
    wid = lax.axis_index("s") * _NC + lax.axis_index("c")
    base = wid * _BPW
    pltpu.sync_copy(idx_hbm.at[pl.ds(base, _BPW)], idx_v)

    lane = lax.broadcasted_iota(jnp.int32, (16,), 0)

    def read_idx(i):
        chunk = idx_v[pl.ds((i >> 4) * 16, 16)]
        return jnp.sum(jnp.where(lane == (i & 15), chunk, 0))

    def fetch(slot, v):
        c0 = (v >> 7) * 128
        for r in range(4):
            pltpu.async_copy(
                table_hbm.at[pl.ds(r * 8, 8), pl.ds(c0, 128)],
                blk_v.at[slot, r],
                sems.at[slot],
            )

    def wait_block(slot):
        for r in range(4):
            pltpu.make_async_copy(
                table_hbm.at[pl.ds(0, 8), pl.ds(0, 128)],
                blk_v.at[slot, r],
                sems.at[slot],
            ).wait()

    for i in range(_RING):
        fetch(i, read_idx(jnp.int32(i)))

    def body(i, carry):
        slot = i & (_RING - 1)
        wait_block(slot)
        v = read_idx(i)
        l16 = jnp.full((16,), v & 127, dtype=jnp.int32)
        i16 = jnp.full((16,), i, dtype=jnp.int32)
        zero_dep = jnp.int32(0)
        for h in range(2):
            d16 = lane + (16 * h)
            r16 = d16 >> 3
            k16 = d16 & 7
            vals = plsc.load_gather(blk_v.at[slot], [r16, k16, l16])
            plsc.store_scatter(cols_v, [r16, k16, i16], vals)
            zero_dep = zero_dep | (jnp.sum(plsc.bitcast(vals, jnp.int32)) & 0)
        nxt = i + _RING

        @pl.when(nxt < _BPW)
        def _():
            fetch(slot, read_idx(nxt) | zero_dep)

        return carry

    lax.fori_loop(0, _BPW, body, 0)

    for r in range(4):
        pltpu.sync_copy(
            cols_v.at[r], out_hbm.at[pl.ds(r * 8, 8), pl.ds(base, _BPW)]
        )


def kernel(x, embeddings):
    out_t = _sc_gather(embeddings.T, x.astype(jnp.int32))
    return out_t.T

# --- scband reference (transcript-rebuilt; emitter-appended) ---
"""Pipeline reference for scband-skip-gram-37503654428922 (READ-ONLY COPY).

The authoritative reference and input builder live on the scoring server;
editing this copy changes nothing except your own understanding.
"""

import jax, jax.numpy as jnp
import numpy as np

VOCAB_DIM = 1000000
EMBED_DIM = 32
BATCH = 16384


def setup_inputs(seed: int = 0) -> dict:
    key = jax.random.key(seed)
    k_idx, k_emb = jax.random.split(key, 2)
    x = jax.random.randint(k_idx, (BATCH,), 0, VOCAB_DIM, dtype=jnp.int64 if jax.config.jax_enable_x64 else jnp.int32)
    embeddings = jax.random.normal(k_emb, (VOCAB_DIM, EMBED_DIM), dtype=jnp.float32)
    return {"x": x, "embeddings": embeddings}


def reference(x, embeddings):
    # SkipGram.forward: return self.embeddings(x)  -> gather rows of embedding table
    return jnp.take(embeddings, x, axis=0)

if __name__ == "__main__":
    import jax
    _d = setup_inputs()
    print(jax.jit(kernel)(*tuple(_d.values())))

</pallas_src>

<mosaic_0001>
#map = affine_map<(d0, d1) -> (0, 0)>
#map1 = affine_map<(d0, d1) -> (0)>
module attributes {stable_mosaic.version = 14 : i64} {
  func.func @_sc_gather(%arg0: i32, %arg1: i32, %arg2: memref<32x1000000xf32, #tpu.memory_space<hbm>>, %arg3: memref<16384xi32, #tpu.memory_space<hbm>>, %arg4: memref<32x16384xf32, #tpu.memory_space<hbm>>, %arg5: memref<512xi32, #tpu.memory_space<vmem>>, %arg6: memref<8x4x8x128xf32, #tpu.memory_space<vmem>>, %arg7: memref<4x8x512xf32, #tpu.memory_space<vmem>>, %arg8: memref<8x!tpu.dma_semaphore, #tpu.memory_space<semaphore_mem>>) attributes {dimension_semantics = [#tpu.dimension_semantics<core_parallel>, #tpu.dimension_semantics<subcore_parallel>], iteration_bounds = array<i64: 2, 16>, scalar_prefetch = 0 : i64, scratch_operands = 4 : i64, tpu.core_type = #tpu.core_type<sc_vector_subcore>, window_params = [{transform_indices = #map}, {transform_indices = #map1}, {transform_indices = #map}]} {
    %mul3A = arith.constant 2 : i32
    %mul3A_0 = arith.muli %arg1, %mul3A : i32
    %add3A = arith.addi %mul3A_0, %arg0 : i32
    %mul3A_1 = arith.constant 512 : i32
    %mul3A_2 = arith.muli %add3A, %mul3A_1 : i32
    "tpu.region"() ({
      %run_scoped3A_730 = tpu.sem_alloc : memref<!tpu.dma_semaphore, #tpu.memory_space<semaphore_mem>>
      %dma_start3A_731 = tpu.memref_slice %arg3[%mul3A_2] : memref<16384xi32, #tpu.memory_space<hbm>> -> memref<512xi32, #tpu.memory_space<hbm>>
      %dma_start3A_732 = tpu.memref_slice %arg3[%mul3A_2] : memref<16384xi32, #tpu.memory_space<hbm>> -> memref<512xi32, #tpu.memory_space<hbm>>
      tpu.enqueue_dma source(%dma_start3A_732 : memref<512xi32, #tpu.memory_space<hbm>>) target(%arg5 : memref<512xi32, #tpu.memory_space<vmem>>) target_semaphore(%run_scoped3A_730 : memref<!tpu.dma_semaphore, #tpu.memory_space<semaphore_mem>>)
      %dma_wait3A = tpu.memref_slice %arg3[%mul3A_2] : memref<16384xi32, #tpu.memory_space<hbm>> -> memref<512xi32, #tpu.memory_space<hbm>>
      %dma_wait3A_733 = tpu.memref_slice %arg3[%mul3A_2] : memref<16384xi32, #tpu.memory_space<hbm>> -> memref<512xi32, #tpu.memory_space<hbm>>
      tpu.wait_dma2 semaphore(%run_scoped3A_730 : memref<!tpu.dma_semaphore, #tpu.memory_space<semaphore_mem>>) src(%dma_wait3A_733 : memref<512xi32, #tpu.memory_space<hbm>>) dst(%arg5 : memref<512xi32, #tpu.memory_space<vmem>>)
      tpu.yield
    }) : () -> ()
    %iota3A = tpu.iota {dimensions = array<i32: 0>} : vector<16xi32>
    %shift_right_arithmetic3A = arith.constant 0 : i32
    %shift_right_arithmetic3A_3 = arith.constant 4 : i32
    %shift_right_arithmetic3A_4 = arith.shrsi %shift_right_arithmetic3A, %shift_right_arithmetic3A_3 : i32
    %mul3A_5 = arith.constant 16 : i32
    %mul3A_6 = arith.muli %shift_right_arithmetic3A_4, %mul3A_5 : i32
    %get3A = arith.index_cast %mul3A_6 : i32 to index
    %get3A_7 = tpu.vector_load %arg5[%get3A] {strides = array<i32>} : memref<512xi32, #tpu.memory_space<vmem>>, vector<16xi32>,
    %and3A = arith.constant 0 : i32
    %and3A_8 = arith.constant 15 : i32
    %and3A_9 = arith.andi %and3A, %and3A_8 : i32
    %eq3A = vector.broadcast %and3A_9 : i32 to vector<16xi32>
    %eq3A_10 = arith.cmpi eq, %iota3A, %eq3A : vector<16xi32>
    %jit3A = arith.constant 0 : i32
    %broadcast_in_dim3A = vector.broadcast %jit3A : i32 to vector<16xi32>
    %select_n3A = arith.select %eq3A_10, %get3A_7, %broadcast_in_dim3A : vector<16xi1>, vector<16xi32>
    %reduce_sum3A = arith.constant true
    %reduce_sum3A_11 = vector.broadcast %reduce_sum3A : i1 to vector<16xi1>
    %reduce_sum3A_12 = tpu.scan <sum>, %select_n3A masked %reduce_sum3A_11 : vector<16xi32>, vector<16xi1> -> vector<16xi32>
    %reduce_sum3A_13 = vector.extract %reduce_sum3A_12[15] : i32 from vector<16xi32>
    %shift_right_arithmetic3A_14 = arith.constant 7 : i32
    %shift_right_arithmetic3A_15 = arith.shrsi %reduce_sum3A_13, %shift_right_arithmetic3A_14 : i32
    %mul3A_16 = arith.constant 128 : i32
    %mul3A_17 = arith.muli %shift_right_arithmetic3A_15, %mul3A_16 : i32
    %dma_start3A = arith.constant 0 : i32
    %dma_start3A_18 = arith.constant 0 : i32
    %dma_start3A_19 = arith.constant 0 : i32
    %dma_start3A_20 = arith.constant 0 : i32
    %dma_start3A_21 = arith.constant 0 : i32
    %dma_start3A_22 = tpu.memref_slice %arg6[%dma_start3A, %dma_start3A_18, %dma_start3A_20, %dma_start3A_21] : memref<8x4x8x128xf32, #tpu.memory_space<vmem>> -> memref<1x1x8x128xf32, #tpu.memory_space<vmem>>
    %dma_start3A_23 = tpu.memref_squeeze %dma_start3A_22 : memref<1x1x8x128xf32, #tpu.memory_space<vmem>> -> memref<8x128xf32, #tpu.memory_space<vmem>>
    %dma_start3A_24 = arith.constant 0 : i32
    %dma_start3A_25 = tpu.memref_slice %arg2[%dma_start3A_24, %mul3A_17] : memref<32x1000000xf32, #tpu.memory_space<hbm>> -> memref<8x128xf32, #tpu.memory_space<hbm>>
    %dma_start3A_26 = tpu.memref_slice %arg8[%dma_start3A_19] : memref<8x!tpu.dma_semaphore, #tpu.memory_space<semaphore_mem>> -> memref<1x!tpu.dma_semaphore, #tpu.memory_space<semaphore_mem>>
    %dma_start3A_27 = tpu.memref_squeeze %dma_start3A_26 : memref<1x!tpu.dma_semaphore, #tpu.memory_space<semaphore_mem>> -> memref<!tpu.dma_semaphore, #tpu.memory_space<semaphore_mem>>
    %dma_start3A_28 = arith.constant 0 : i32
    %dma_start3A_29 = arith.constant 0 : i32
    %dma_start3A_30 = tpu.memref_slice %arg6[%dma_start3A, %dma_start3A_18, %dma_start3A_28, %dma_start3A_29] : memref<8x4x8x128xf32, #tpu.memory_space<vmem>> -> memref<1x1x8x128xf32, #tpu.memory_space<vmem>>
    %dma_start3A_31 = tpu.memref_squeeze %dma_start3A_30 : memref<1x1x8x128xf32, #tpu.memory_space<vmem>> -> memref<8x128xf32, #tpu.memory_space<vmem>>
    %dma_start3A_32 = arith.constant 0 : i32
    %dma_start3A_33 = tpu.memref_slice %arg2[%dma_start3A_32, %mul3A_17] : memref<32x1000000xf32, #tpu.memory_space<hbm>> -> memref<8x128xf32, #tpu.memory_space<hbm>>
    tpu.enqueue_dma source(%dma_start3A_33 : memref<8x128xf32, #tpu.memory_space<hbm>>) target(%dma_start3A_31 : memref<8x128xf32, #tpu.memory_space<vmem>>) target_semaphore(%dma_start3A_27 : memref<!tpu.dma_semaphore, #tpu.memory_space<semaphore_mem>>)
    %dma_start3A_34 = arith.constant 0 : i32
    %dma_start3A_35 = arith.constant 1 : i32
    %dma_start3A_36 = arith.constant 0 : i32
    %dma_start3A_37 = arith.constant 0 : i32
    %dma_start3A_38 = arith.constant 0 : i32
    %dma_start3A_39 = tpu.memref_slice %arg6[%dma_start3A_34, %dma_start3A_35, %dma_start3A_37, %dma_start3A_38] : memref<8x4x8x128xf32, #tpu.memory_space<vmem>> -> memref<1x1x8x128xf32, #tpu.memory_space<vmem>>
    %dma_start3A_40 = tpu.memref_squeeze %dma_start3A_39 : memref<1x1x8x128xf32, #tpu.memory_space<vmem>> -> memref<8x128xf32, #tpu.memory_space<vmem>>
    %dma_start3A_41 = arith.constant 8 : i32
    %dma_start3A_42 = tpu.memref_slice %arg2[%dma_start3A_41, %mul3A_17] : memref<32x1000000xf32, #tpu.memory_space<hbm>> -> memref<8x128xf32, #tpu.memory_space<hbm>>
    %dma_start3A_43 = tpu.memref_slice %arg8[%dma_start3A_36] : memref<8x!tpu.dma_semaphore, #tpu.memory_space<semaphore_mem>> -> memref<1x!tpu.dma_semaphore, #tpu.memory_space<semaphore_mem>>
    %dma_start3A_44 = tpu.memref_squeeze %dma_start3A_43 : memref<1x!tpu.dma_semaphore, #tpu.memory_space<semaphore_mem>> -> memref<!tpu.dma_semaphore, #tpu.memory_space<semaphore_mem>>
    %dma_start3A_45 = arith.constant 0 : i32
    %dma_start3A_46 = arith.constant 0 : i32
    %dma_start3A_47 = tpu.memref_slice %arg6[%dma_start3A_34, %dma_start3A_35, %dma_start3A_45, %dma_start3A_46] : memref<8x4x8x128xf32, #tpu.memory_space<vmem>> -> memref<1x1x8x128xf32, #tpu.memory_space<vmem>>
    %dma_start3A_48 = tpu.memref_squeeze %dma_start3A_47 : memref<1x1x8x128xf32, #tpu.memory_space<vmem>> -> memref<8x128xf32, #tpu.memory_space<vmem>>
    %dma_start3A_49 = arith.constant 8 : i32
    %dma_start3A_50 = tpu.memref_slice %arg2[%dma_start3A_49, %mul3A_17] : memref<32x1000000xf32, #tpu.memory_space<hbm>> -> memref<8x128xf32, #tpu.memory_space<hbm>>
    tpu.enqueue_dma source(%dma_start3A_50 : memref<8x128xf32, #tpu.memory_space<hbm>>) target(%dma_start3A_48 : memref<8x128xf32, #tpu.memory_space<vmem>>) target_semaphore(%dma_start3A_44 : memref<!tpu.dma_semaphore, #tpu.memory_space<semaphore_mem>>)
    %dma_start3A_51 = arith.constant 0 : i32
    %dma_start3A_52 = arith.constant 2 : i32
    %dma_start3A_53 = arith.constant 0 : i32
    %dma_start3A_54 = arith.constant 0 : i32
    %dma_start3A_55 = arith.constant 0 : i32
    %dma_start3A_56 = tpu.memref_slice %arg6[%dma_start3A_51, %dma_start3A_52, %dma_start3A_54, %dma_start3A_55] : memref<8x4x8x128xf32, #tpu.memory_space<vmem>> -> memref<1x1x8x128xf32, #tpu.memory_space<vmem>>
    %dma_start3A_57 = tpu.memref_squeeze %dma_start3A_56 : memref<1x1x8x128xf32, #tpu.memory_space<vmem>> -> memref<8x128xf32, #tpu.memory_space<vmem>>
    %dma_start3A_58 = arith.constant 16 : i32
    %dma_start3A_59 = tpu.memref_slice %arg2[%dma_start3A_58, %mul3A_17] : memref<32x1000000xf32, #tpu.memory_space<hbm>> -> memref<8x128xf32, #tpu.memory_space<hbm>>
    %dma_start3A_60 = tpu.memref_slice %arg8[%dma_start3A_53] : memref<8x!tpu.dma_semaphore, #tpu.memory_space<semaphore_mem>> -> memref<1x!tpu.dma_semaphore, #tpu.memory_space<semaphore_mem>>
    %dma_start3A_61 = tpu.memref_squeeze %dma_start3A_60 : memref<1x!tpu.dma_semaphore, #tpu.memory_space<semaphore_mem>> -> memref<!tpu.dma_semaphore, #tpu.memory_space<semaphore_mem>>
    %dma_start3A_62 = arith.constant 0 : i32
    %dma_start3A_63 = arith.constant 0 : i32
    %dma_start3A_64 = tpu.memref_slice %arg6[%dma_start3A_51, %dma_start3A_52, %dma_start3A_62, %dma_start3A_63] : memref<8x4x8x128xf32, #tpu.memory_space<vmem>> -> memref<1x1x8x128xf32, #tpu.memory_space<vmem>>
    %dma_start3A_65 = tpu.memref_squeeze %dma_start3A_64 : memref<1x1x8x128xf32, #tpu.memory_space<vmem>> -> memref<8x128xf32, #tpu.memory_space<vmem>>
    %dma_start3A_66 = arith.constant 16 : i32
    %dma_start3A_67 = tpu.memref_slice %arg2[%dma_start3A_66, %mul3A_17] : memref<32x1000000xf32, #tpu.memory_space<hbm>> -> memref<8x128xf32, #tpu.memory_space<hbm>>
    tpu.enqueue_dma source(%dma_start3A_67 : memref<8x128xf32, #tpu.memory_space<hbm>>) target(%dma_start3A_65 : memref<8x128xf32, #tpu.memory_space<vmem>>) target_semaphore(%dma_start3A_61 : memref<!tpu.dma_semaphore, #tpu.memory_space<semaphore_mem>>)
    %dma_start3A_68 = arith.constant 0 : i32
    %dma_start3A_69 = arith.constant 3 : i32
    %dma_start3A_70 = arith.constant 0 : i32
    %dma_start3A_71 = arith.constant 0 : i32
    %dma_start3A_72 = arith.constant 0 : i32
    %dma_start3A_73 = tpu.memref_slice %arg6[%dma_start3A_68, %dma_start3A_69, %dma_start3A_71, %dma_start3A_72] : memref<8x4x8x128xf32, #tpu.memory_space<vmem>> -> memref<1x1x8x128xf32, #tpu.memory_space<vmem>>
    %dma_start3A_74 = tpu.memref_squeeze %dma_start3A_73 : memref<1x1x8x128xf32, #tpu.memory_space<vmem>> -> memref<8x128xf32, #tpu.memory_space<vmem>>
    %dma_start3A_75 = arith.constant 24 : i32
    %dma_start3A_76 = tpu.memref_slice %arg2[%dma_start3A_75, %mul3A_17] : memref<32x1000000xf32, #tpu.memory_space<hbm>> -> memref<8x128xf32, #tpu.memory_space<hbm>>
    %dma_start3A_77 = tpu.memref_slice %arg8[%dma_start3A_70] : memref<8x!tpu.dma_semaphore, #tpu.memory_space<semaphore_mem>> -> memref<1x!tpu.dma_semaphore, #tpu.memory_space<semaphore_mem>>
    %dma_start3A_78 = tpu.memref_squeeze %dma_start3A_77 : memref<1x!tpu.dma_semaphore, #tpu.memory_space<semaphore_mem>> -> memref<!tpu.dma_semaphore, #tpu.memory_space<semaphore_mem>>
    %dma_start3A_79 = arith.constant 0 : i32
    %dma_start3A_80 = arith.constant 0 : i32
    %dma_start3A_81 = tpu.memref_slice %arg6[%dma_start3A_68, %dma_start3A_69, %dma_start3A_79, %dma_start3A_80] : memref<8x4x8x128xf32, #tpu.memory_space<vmem>> -> memref<1x1x8x128xf32, #tpu.memory_space<vmem>>
    %dma_start3A_82 = tpu.memref_squeeze %dma_start3A_81 : memref<1x1x8x128xf32, #tpu.memory_space<vmem>> -> memref<8x128xf32, #tpu.memory_space<vmem>>
    %dma_start3A_83 = arith.constant 24 : i32
    %dma_start3A_84 = tpu.memref_slice %arg2[%dma_start3A_83, %mul3A_17] : memref<32x1000000xf32, #tpu.memory_space<hbm>> -> memref<8x128xf32, #tpu.memory_space<hbm>>
    tpu.enqueue_dma source(%dma_start3A_84 : memref<8x128xf32, #tpu.memory_space<hbm>>) target(%dma_start3A_82 : memref<8x128xf32, #tpu.memory_space<vmem>>) target_semaphore(%dma_start3A_78 : memref<!tpu.dma_semaphore, #tpu.memory_space<semaphore_mem>>)
    %shift_right_arithmetic3A_85 = arith.constant 1 : i32
    %shift_right_arithmetic3A_86 = arith.constant 4 : i32
    %shift_right_arithmetic3A_87 = arith.shrsi %shift_right_arithmetic3A_85, %shift_right_arithmetic3A_86 : i32
    %mul3A_88 = arith.constant 16 : i32
    %mul3A_89 = arith.muli %shift_right_arithmetic3A_87, %mul3A_88 : i32
    %get3A_90 = arith.index_cast %mul3A_89 : i32 to index
    %get3A_91 = tpu.vector_load %arg5[%get3A_90] {strides = array<i32>} : memref<512xi32, #tpu.memory_space<vmem>>, vector<16xi32>,
    %and3A_92 = arith.constant 1 : i32
    %and3A_93 = arith.constant 15 : i32
    %and3A_94 = arith.andi %and3A_92, %and3A_93 : i32
    %eq3A_95 = vector.broadcast %and3A_94 : i32 to vector<16xi32>
    %eq3A_96 = arith.cmpi eq, %iota3A, %eq3A_95 : vector<16xi32>
    %jit3A_97 = arith.constant 0 : i32
    %broadcast_in_dim3A_98 = vector.broadcast %jit3A_97 : i32 to vector<16xi32>
    %select_n3A_99 = arith.select %eq3A_96, %get3A_91, %broadcast_in_dim3A_98 : vector<16xi1>, vector<16xi32>
    %reduce_sum3A_100 = arith.constant true
    %reduce_sum3A_101 = vector.broadcast %reduce_sum3A_100 : i1 to vector<16xi1>
    %reduce_sum3A_102 = tpu.scan <sum>, %select_n3A_99 masked %reduce_sum3A_101 : vector<16xi32>, vector<16xi1> -> vector<16xi32>
    %reduce_sum3A_103 = vector.extract %reduce_sum3A_102[15] : i32 from vector<16xi32>
    %shift_right_arithmetic3A_104 = arith.constant 7 : i32
    %shift_right_arithmetic3A_105 = arith.shrsi %reduce_sum3A_103, %shift_right_arithmetic3A_104 : i32
    %mul3A_106 = arith.constant 128 : i32
    %mul3A_107 = arith.muli %shift_right_arithmetic3A_105, %mul3A_106 : i32
    %dma_start3A_108 = arith.constant 1 : i32
    %dma_start3A_109 = arith.constant 0 : i32
    %dma_start3A_110 = arith.constant 1 : i32
    %dma_start3A_111 = arith.constant 0 : i32
    %dma_start3A_112 = arith.constant 0 : i32
    %dma_start3A_113 = tpu.memref_slice %arg6[%dma_start3A_108, %dma_start3A_109, %dma_start3A_111, %dma_start3A_112] : memref<8x4x8x128xf32, #tpu.memory_space<vmem>> -> memref<1x1x8x128xf32, #tpu.memory_space<vmem>>
    %dma_start3A_114 = tpu.memref_squeeze %dma_start3A_113 : memref<1x1x8x128xf32, #tpu.memory_space<vmem>> -> memref<8x128xf32, #tpu.memory_space<vmem>>
    %dma_start3A_115 = arith.constant 0 : i32
    %dma_start3A_116 = tpu.memref_slice %arg2[%dma_start3A_115, %mul3A_107] : memref<32x1000000xf32, #tpu.memory_space<hbm>> -> memref<8x128xf32, #tpu.memory_space<hbm>>
    %dma_start3A_117 = tpu.memref_slice %arg8[%dma_start3A_110] : memref<8x!tpu.dma_semaphore, #tpu.memory_space<semaphore_mem>> -> memref<1x!tpu.dma_semaphore, #tpu.memory_space<semaphore_mem>>
    %dma_start3A_118 = tpu.memref_squeeze %dma_start3A_117 : memref<1x!tpu.dma_semaphore, #tpu.memory_space<semaphore_mem>> -> memref<!tpu.dma_semaphore, #tpu.memory_space<semaphore_mem>>
    %dma_start3A_119 = arith.constant 0 : i32
    %dma_start3A_120 = arith.constant 0 : i32
    %dma_start3A_121 = tpu.memref_slice %arg6[%dma_start3A_108, %dma_start3A_109, %dma_start3A_119, %dma_start3A_120] : memref<8x4x8x128xf32, #tpu.memory_space<vmem>> -> memref<1x1x8x128xf32, #tpu.memory_space<vmem>>
    %dma_start3A_122 = tpu.memref_squeeze %dma_start3A_121 : memref<1x1x8x128xf32, #tpu.memory_space<vmem>> -> memref<8x128xf32, #tpu.memory_space<vmem>>
    %dma_start3A_123 = arith.constant 0 : i32
    %dma_start3A_124 = tpu.memref_slice %arg2[%dma_start3A_123, %mul3A_107] : memref<32x1000000xf32, #tpu.memory_space<hbm>> -> memref<8x128xf32, #tpu.memory_space<hbm>>
    tpu.enqueue_dma source(%dma_start3A_124 : memref<8x128xf32, #tpu.memory_space<hbm>>) target(%dma_start3A_122 : memref<8x128xf32, #tpu.memory_space<vmem>>) target_semaphore(%dma_start3A_118 : memref<!tpu.dma_semaphore, #tpu.memory_space<semaphore_mem>>)
    %dma_start3A_125 = arith.constant 1 : i32
    %dma_start3A_126 = arith.constant 1 : i32
    %dma_start3A_127 = arith.constant 1 : i32
    %dma_start3A_128 = arith.constant 0 : i32
    %dma_start3A_129 = arith.constant 0 : i32
    %dma_start3A_130 = tpu.memref_slice %arg6[%dma_start3A_125, %dma_start3A_126, %dma_start3A_128, %dma_start3A_129] : memref<8x4x8x128xf32, #tpu.memory_space<vmem>> -> memref<1x1x8x128xf32, #tpu.memory_space<vmem>>
    %dma_start3A_131 = tpu.memref_squeeze %dma_start3A_130 : memref<1x1x8x128xf32, #tpu.memory_space<vmem>> -> memref<8x128xf32, #tpu.memory_space<vmem>>
    %dma_start3A_132 = arith.constant 8 : i32
    %dma_start3A_133 = tpu.memref_slice %arg2[%dma_start3A_132, %mul3A_107] : memref<32x1000000xf32, #tpu.memory_space<hbm>> -> memref<8x128xf32, #tpu.memory_space<hbm>>
    %dma_start3A_134 = tpu.memref_slice %arg8[%dma_start3A_127] : memref<8x!tpu.dma_semaphore, #tpu.memory_space<semaphore_mem>> -> memref<1x!tpu.dma_semaphore, #tpu.memory_space<semaphore_mem>>
    %dma_start3A_135 = tpu.memref_squeeze %dma_start3A_134 : memref<1x!tpu.dma_semaphore, #tpu.memory_space<semaphore_mem>> -> memref<!tpu.dma_semaphore, #tpu.memory_space<semaphore_mem>>
    %dma_start3A_136 = arith.constant 0 : i32
    %dma_start3A_137 = arith.constant 0 : i32
    %dma_start3A_138 = tpu.memref_slice %arg6[%dma_start3A_125, %dma_start3A_126, %dma_start3A_136, %dma_start3A_137] : memref<8x4x8x128xf32, #tpu.memory_space<vmem>> -> memref<1x1x8x128xf32, #tpu.memory_space<vmem>>
    %dma_start3A_139 = tpu.memref_squeeze %dma_start3A_138 : memref<1x1x8x128xf32, #tpu.memory_space<vmem>> -> memref<8x128xf32, #tpu.memory_space<vmem>>
    %dma_start3A_140 = arith.constant 8 : i32
    %dma_start3A_141 = tpu.memref_slice %arg2[%dma_start3A_140, %mul3A_107] : memref<32x1000000xf32, #tpu.memory_space<hbm>> -> memref<8x128xf32, #tpu.memory_space<hbm>>
    tpu.enqueue_dma source(%dma_start3A_141 : memref<8x128xf32, #tpu.memory_space<hbm>>) target(%dma_start3A_139 : memref<8x128xf32, #tpu.memory_space<vmem>>) target_semaphore(%dma_start3A_135 : memref<!tpu.dma_semaphore, #tpu.memory_space<semaphore_mem>>)
    %dma_start3A_142 = arith.constant 1 : i32
    %dma_start3A_143 = arith.constant 2 : i32
    %dma_start3A_144 = arith.constant 1 : i32
    %dma_start3A_145 = arith.constant 0 : i32
    %dma_start3A_146 = arith.constant 0 : i32
    %dma_start3A_147 = tpu.memref_slice %arg6[%dma_start3A_142, %dma_start3A_143, %dma_start3A_145, %dma_start3A_146] : memref<8x4x8x128xf32, #tpu.memory_space<vmem>> -> memref<1x1x8x128xf32, #tpu.memory_space<vmem>>
    %dma_start3A_148 = tpu.memref_squeeze %dma_start3A_147 : memref<1x1x8x128xf32, #tpu.memory_space<vmem>> -> memref<8x128xf32, #tpu.memory_space<vmem>>
    %dma_start3A_149 = arith.constant 16 : i32
    %dma_start3A_150 = tpu.memref_slice %arg2[%dma_start3A_149, %mul3A_107] : memref<32x1000000xf32, #tpu.memory_space<hbm>> -> memref<8x128xf32, #tpu.memory_space<hbm>>
    %dma_start3A_151 = tpu.memref_slice %arg8[%dma_start3A_144] : memref<8x!tpu.dma_semaphore, #tpu.memory_space<semaphore_mem>> -> memref<1x!tpu.dma_semaphore, #tpu.memory_space<semaphore_mem>>
    %dma_start3A_152 = tpu.memref_squeeze %dma_start3A_151 : memref<1x!tpu.dma_semaphore, #tpu.memory_space<semaphore_mem>> -> memref<!tpu.dma_semaphore, #tpu.memory_space<semaphore_mem>>
    %dma_start3A_153 = arith.constant 0 : i32
    %dma_start3A_154 = arith.constant 0 : i32
    %dma_start3A_155 = tpu.memref_slice %arg6[%dma_start3A_142, %dma_start3A_143, %dma_start3A_153, %dma_start3A_154] : memref<8x4x8x128xf32, #tpu.memory_space<vmem>> -> memref<1x1x8x128xf32, #tpu.memory_space<vmem>>
    %dma_start3A_156 = tpu.memref_squeeze %dma_start3A_155 : memref<1x1x8x128xf32, #tpu.memory_space<vmem>> -> memref<8x128xf32, #tpu.memory_space<vmem>>
    %dma_start3A_157 = arith.constant 16 : i32
    %dma_start3A_158 = tpu.memref_slice %arg2[%dma_start3A_157, %mul3A_107] : memref<32x1000000xf32, #tpu.memory_space<hbm>> -> memref<8x128xf32, #tpu.memory_space<hbm>>
    tpu.enqueue_dma source(%dma_start3A_158 : memref<8x128xf32, #tpu.memory_space<hbm>>) target(%dma_start3A_156 : memref<8x128xf32, #tpu.memory_space<vmem>>) target_semaphore(%dma_start3A_152 : memref<!tpu.dma_semaphore, #tpu.memory_space<semaphore_mem>>)
    %dma_start3A_159 = arith.constant 1 : i32
    %dma_start3A_160 = arith.constant 3 : i32
    %dma_start3A_161 = arith.constant 1 : i32
    %dma_start3A_162 = arith.constant 0 : i32
    %dma_start3A_163 = arith.constant 0 : i32
    %dma_start3A_164 = tpu.memref_slice %arg6[%dma_start3A_159, %dma_start3A_160, %dma_start3A_162, %dma_start3A_163] : memref<8x4x8x128xf32, #tpu.memory_space<vmem>> -> memref<1x1x8x128xf32, #tpu.memory_space<vmem>>
    %dma_start3A_165 = tpu.memref_squeeze %dma_start3A_164 : memref<1x1x8x128xf32, #tpu.memory_space<vmem>> -> memref<8x128xf32, #tpu.memory_space<vmem>>
    %dma_start3A_166 = arith.constant 24 : i32
    %dma_start3A_167 = tpu.memref_slice %arg2[%dma_start3A_166, %mul3A_107] : memref<32x1000000xf32, #tpu.memory_space<hbm>> -> memref<8x128xf32, #tpu.memory_space<hbm>>
    %dma_start3A_168 = tpu.memref_slice %arg8[%dma_start3A_161] : memref<8x!tpu.dma_semaphore, #tpu.memory_space<semaphore_mem>> -> memref<1x!tpu.dma_semaphore, #tpu.memory_space<semaphore_mem>>
    %dma_start3A_169 = tpu.memref_squeeze %dma_start3A_168 : memref<1x!tpu.dma_semaphore, #tpu.memory_space<semaphore_mem>> -> memref<!tpu.dma_semaphore, #tpu.memory_space<semaphore_mem>>
    %dma_start3A_170 = arith.constant 0 : i32
    %dma_start3A_171 = arith.constant 0 : i32
    %dma_start3A_172 = tpu.memref_slice %arg6[%dma_start3A_159, %dma_start3A_160, %dma_start3A_170, %dma_start3A_171] : memref<8x4x8x128xf32, #tpu.memory_space<vmem>> -> memref<1x1x8x128xf32, #tpu.memory_space<vmem>>
    %dma_start3A_173 = tpu.memref_squeeze %dma_start3A_172 : memref<1x1x8x128xf32, #tpu.memory_space<vmem>> -> memref<8x128xf32, #tpu.memory_space<vmem>>
    %dma_start3A_174 = arith.constant 24 : i32
    %dma_start3A_175 = tpu.memref_slice %arg2[%dma_start3A_174, %mul3A_107] : memref<32x1000000xf32, #tpu.memory_space<hbm>> -> memref<8x128xf32, #tpu.memory_space<hbm>>
    tpu.enqueue_dma source(%dma_start3A_175 : memref<8x128xf32, #tpu.memory_space<hbm>>) target(%dma_start3A_173 : memref<8x128xf32, #tpu.memory_space<vmem>>) target_semaphore(%dma_start3A_169 : memref<!tpu.dma_semaphore, #tpu.memory_space<semaphore_mem>>)
    %shift_right_arithmetic3A_176 = arith.constant 2 : i32
    %shift_right_arithmetic3A_177 = arith.constant 4 : i32
    %shift_right_arithmetic3A_178 = arith.shrsi %shift_right_arithmetic3A_176, %shift_right_arithmetic3A_177 : i32
    %mul3A_179 = arith.constant 16 : i32
    %mul3A_180 = arith.muli %shift_right_arithmetic3A_178, %mul3A_179 : i32
    %get3A_181 = arith.index_cast %mul3A_180 : i32 to index
    %get3A_182 = tpu.vector_load %arg5[%get3A_181] {strides = array<i32>} : memref<512xi32, #tpu.memory_space<vmem>>, vector<16xi32>,
    %and3A_183 = arith.constant 2 : i32
    %and3A_184 = arith.constant 15 : i32
    %and3A_185 = arith.andi %and3A_183, %and3A_184 : i32
    %eq3A_186 = vector.broadcast %and3A_185 : i32 to vector<16xi32>
    %eq3A_187 = arith.cmpi eq, %iota3A, %eq3A_186 : vector<16xi32>
    %jit3A_188 = arith.constant 0 : i32
    %broadcast_in_dim3A_189 = vector.broadcast %jit3A_188 : i32 to vector<16xi32>
    %select_n3A_190 = arith.select %eq3A_187, %get3A_182, %broadcast_in_dim3A_189 : vector<16xi1>, vector<16xi32>
    %reduce_sum3A_191 = arith.constant true
    %reduce_sum3A_192 = vector.broadcast %reduce_sum3A_191 : i1 to vector<16xi1>
    %reduce_sum3A_193 = tpu.scan <sum>, %select_n3A_190 masked %reduce_sum3A_192 : vector<16xi32>, vector<16xi1> -> vector<16xi32>
    %reduce_sum3A_194 = vector.extract %reduce_sum3A_193[15] : i32 from vector<16xi32>
    %shift_right_arithmetic3A_195 = arith.constant 7 : i32
    %shift_right_arithmetic3A_196 = arith.shrsi %reduce_sum3A_194, %shift_right_arithmetic3A_195 : i32
    %mul3A_197 = arith.constant 128 : i32
    %mul3A_198 = arith.muli %shift_right_arithmetic3A_196, %mul3A_197 : i32
    %dma_start3A_199 = arith.constant 2 : i32
    %dma_start3A_200 = arith.constant 0 : i32
    %dma_start3A_201 = arith.constant 2 : i32
    %dma_start3A_202 = arith.constant 0 : i32
    %dma_start3A_203 = arith.constant 0 : i32
    %dma_start3A_204 = tpu.memref_slice %arg6[%dma_start3A_199, %dma_start3A_200, %dma_start3A_202, %dma_start3A_203] : memref<8x4x8x128xf32, #tpu.memory_space<vmem>> -> memref<1x1x8x128xf32, #tpu.memory_space<vmem>>
    %dma_start3A_205 = tpu.memref_squeeze %dma_start3A_204 : memref<1x1x8x128xf32, #tpu.memory_space<vmem>> -> memref<8x128xf32, #tpu.memory_space<vmem>>
    %dma_start3A_206 = arith.constant 0 : i32
    %dma_start3A_207 = tpu.memref_slice %arg2[%dma_start3A_206, %mul3A_198] : memref<32x1000000xf32, #tpu.memory_space<hbm>> -> memref<8x128xf32, #tpu.memory_space<hbm>>
    %dma_start3A_208 = tpu.memref_slice %arg8[%dma_start3A_201] : memref<8x!tpu.dma_semaphore, #tpu.memory_space<semaphore_mem>> -> memref<1x!tpu.dma_semaphore, #tpu.memory_space<semaphore_mem>>
    %dma_start3A_209 = tpu.memref_squeeze %dma_start3A_208 : memref<1x!tpu.dma_semaphore, #tpu.memory_space<semaphore_mem>> -> memref<!tpu.dma_semaphore, #tpu.memory_space<semaphore_mem>>
    %dma_start3A_210 = arith.constant 0 : i32
    %dma_start3A_211 = arith.constant 0 : i32
    %dma_start3A_212 = tpu.memref_slice %arg6[%dma_start3A_199, %dma_start3A_200, %dma_start3A_210, %dma_start3A_211] : memref<8x4x8x128xf32, #tpu.memory_space<vmem>> -> memref<1x1x8x128xf32, #tpu.memory_space<vmem>>
    %dma_start3A_213 = tpu.memref_squeeze %dma_start3A_212 : memref<1x1x8x128xf32, #tpu.memory_space<vmem>> -> memref<8x128xf32, #tpu.memory_space<vmem>>
    %dma_start3A_214 = arith.constant 0 : i32
    %dma_start3A_215 = tpu.memref_slice %arg2[%dma_start3A_214, %mul3A_198] : memref<32x1000000xf32, #tpu.memory_space<hbm>> -> memref<8x128xf32, #tpu.memory_space<hbm>>
    tpu.enqueue_dma source(%dma_start3A_215 : memref<8x128xf32, #tpu.memory_space<hbm>>) target(%dma_start3A_213 : memref<8x128xf32, #tpu.memory_space<vmem>>) target_semaphore(%dma_start3A_209 : memref<!tpu.dma_semaphore, #tpu.memory_space<semaphore_mem>>)
    %dma_start3A_216 = arith.constant 2 : i32
    %dma_start3A_217 = arith.constant 1 : i32
    %dma_start3A_218 = arith.constant 2 : i32
    %dma_start3A_219 = arith.constant 0 : i32
    %dma_start3A_220 = arith.constant 0 : i32
    %dma_start3A_221 = tpu.memref_slice %arg6[%dma_start3A_216, %dma_start3A_217, %dma_start3A_219, %dma_start3A_220] : memref<8x4x8x128xf32, #tpu.memory_space<vmem>> -> memref<1x1x8x128xf32, #tpu.memory_space<vmem>>
    %dma_start3A_222 = tpu.memref_squeeze %dma_start3A_221 : memref<1x1x8x128xf32, #tpu.memory_space<vmem>> -> memref<8x128xf32, #tpu.memory_space<vmem>>
    %dma_start3A_223 = arith.constant 8 : i32
    %dma_start3A_224 = tpu.memref_slice %arg2[%dma_start3A_223, %mul3A_198] : memref<32x1000000xf32, #tpu.memory_space<hbm>> -> memref<8x128xf32, #tpu.memory_space<hbm>>
    %dma_start3A_225 = tpu.memref_slice %arg8[%dma_start3A_218] : memref<8x!tpu.dma_semaphore, #tpu.memory_space<semaphore_mem>> -> memref<1x!tpu.dma_semaphore, #tpu.memory_space<semaphore_mem>>
    %dma_start3A_226 = tpu.memref_squeeze %dma_start3A_225 : memref<1x!tpu.dma_semaphore, #tpu.memory_space<semaphore_mem>> -> memref<!tpu.dma_semaphore, #tpu.memory_space<semaphore_mem>>
    %dma_start3A_227 = arith.constant 0 : i32
    %dma_start3A_228 = arith.constant 0 : i32
    %dma_start3A_229 = tpu.memref_slice %arg6[%dma_start3A_216, %dma_start3A_217, %dma_start3A_227, %dma_start3A_228] : memref<8x4x8x128xf32, #tpu.memory_space<vmem>> -> memref<1x1x8x128xf32, #tpu.memory_space<vmem>>
    %dma_start3A_230 = tpu.memref_squeeze %dma_start3A_229 : memref<1x1x8x128xf32, #tpu.memory_space<vmem>> -> memref<8x128xf32, #tpu.memory_space<vmem>>
    %dma_start3A_231 = arith.constant 8 : i32
    %dma_start3A_232 = tpu.memref_slice %arg2[%dma_start3A_231, %mul3A_198] : memref<32x1000000xf32, #tpu.memory_space<hbm>> -> memref<8x128xf32, #tpu.memory_space<hbm>>
    tpu.enqueue_dma source(%dma_start3A_232 : memref<8x128xf32, #tpu.memory_space<hbm>>) target(%dma_start3A_230 : memref<8x128xf32, #tpu.memory_space<vmem>>) target_semaphore(%dma_start3A_226 : memref<!tpu.dma_semaphore, #tpu.memory_space<semaphore_mem>>)
    %dma_start3A_233 = arith.constant 2 : i32
    %dma_start3A_234 = arith.constant 2 : i32
    %dma_start3A_235 = arith.constant 2 : i32
    %dma_start3A_236 = arith.constant 0 : i32
    %dma_start3A_237 = arith.constant 0 : i32
    %dma_start3A_238 = tpu.memref_slice %arg6[%dma_start3A_233, %dma_start3A_234, %dma_start3A_236, %dma_start3A_237] : memref<8x4x8x128xf32, #tpu.memory_space<vmem>> -> memref<1x1x8x128xf32, #tpu.memory_space<vmem>>
    %dma_start3A_239 = tpu.memref_squeeze %dma_start3A_238 : memref<1x1x8x128xf32, #tpu.memory_space<vmem>> -> memref<8x128xf32, #tpu.memory_space<vmem>>
    %dma_start3A_240 = arith.constant 16 : i32
    %dma_start3A_241 = tpu.memref_slice %arg2[%dma_start3A_240, %mul3A_198] : memref<32x1000000xf32, #tpu.memory_space<hbm>> -> memref<8x128xf32, #tpu.memory_space<hbm>>
    %dma_start3A_242 = tpu.memref_slice %arg8[%dma_start3A_235] : memref<8x!tpu.dma_semaphore, #tpu.memory_space<semaphore_mem>> -> memref<1x!tpu.dma_semaphore, #tpu.memory_space<semaphore_mem>>
    %dma_start3A_243 = tpu.memref_squeeze %dma_start3A_242 : memref<1x!tpu.dma_semaphore, #tpu.memory_space<semaphore_mem>> -> memref<!tpu.dma_semaphore, #tpu.memory_space<semaphore_mem>>
    %dma_start3A_244 = arith.constant 0 : i32
    %dma_start3A_245 = arith.constant 0 : i32
    %dma_start3A_246 = tpu.memref_slice %arg6[%dma_start3A_233, %dma_start3A_234, %dma_start3A_244, %dma_start3A_245] : memref<8x4x8x128xf32, #tpu.memory_space<vmem>> -> memref<1x1x8x128xf32, #tpu.memory_space<vmem>>
    %dma_start3A_247 = tpu.memref_squeeze %dma_start3A_246 : memref<1x1x8x128xf32, #tpu.memory_space<vmem>> -> memref<8x128xf32, #tpu.memory_space<vmem>>
    %dma_start3A_248 = arith.constant 16 : i32
    %dma_start3A_249 = tpu.memref_slice %arg2[%dma_start3A_248, %mul3A_198] : memref<32x1000000xf32, #tpu.memory_space<hbm>> -> memref<8x128xf32, #tpu.memory_space<hbm>>
    tpu.enqueue_dma source(%dma_start3A_249 : memref<8x128xf32, #tpu.memory_space<hbm>>) target(%dma_start3A_247 : memref<8x128xf32, #tpu.memory_space<vmem>>) target_semaphore(%dma_start3A_243 : memref<!tpu.dma_semaphore, #tpu.memory_space<semaphore_mem>>)
    %dma_start3A_250 = arith.constant 2 : i32
    %dma_start3A_251 = arith.constant 3 : i32
    %dma_start3A_252 = arith.constant 2 : i32
    %dma_start3A_253 = arith.constant 0 : i32
    %dma_start3A_254 = arith.constant 0 : i32
    %dma_start3A_255 = tpu.memref_slice %arg6[%dma_start3A_250, %dma_start3A_251, %dma_start3A_253, %dma_start3A_254] : memref<8x4x8x128xf32, #tpu.memory_space<vmem>> -> memref<1x1x8x128xf32, #tpu.memory_space<vmem>>
    %dma_start3A_256 = tpu.memref_squeeze %dma_start3A_255 : memref<1x1x8x128xf32, #tpu.memory_space<vmem>> -> memref<8x128xf32, #tpu.memory_space<vmem>>
    %dma_start3A_257 = arith.constant 24 : i32
    %dma_start3A_258 = tpu.memref_slice %arg2[%dma_start3A_257, %mul3A_198] : memref<32x1000000xf32, #tpu.memory_space<hbm>> -> memref<8x128xf32, #tpu.memory_space<hbm>>
    %dma_start3A_259 = tpu.memref_slice %arg8[%dma_start3A_252] : memref<8x!tpu.dma_semaphore, #tpu.memory_space<semaphore_mem>> -> memref<1x!tpu.dma_semaphore, #tpu.memory_space<semaphore_mem>>
    %dma_start3A_260 = tpu.memref_squeeze %dma_start3A_259 : memref<1x!tpu.dma_semaphore, #tpu.memory_space<semaphore_mem>> -> memref<!tpu.dma_semaphore, #tpu.memory_space<semaphore_mem>>
    %dma_start3A_261 = arith.constant 0 : i32
    %dma_start3A_262 = arith.constant 0 : i32
    %dma_start3A_263 = tpu.memref_slice %arg6[%dma_start3A_250, %dma_start3A_251, %dma_start3A_261, %dma_start3A_262] : memref<8x4x8x128xf32, #tpu.memory_space<vmem>> -> memref<1x1x8x128xf32, #tpu.memory_space<vmem>>
    %dma_start3A_264 = tpu.memref_squeeze %dma_start3A_263 : memref<1x1x8x128xf32, #tpu.memory_space<vmem>> -> memref<8x128xf32, #tpu.memory_space<vmem>>
    %dma_start3A_265 = arith.constant 24 : i32
    %dma_start3A_266 = tpu.memref_slice %arg2[%dma_start3A_265, %mul3A_198] : memref<32x1000000xf32, #tpu.memory_space<hbm>> -> memref<8x128xf32, #tpu.memory_space<hbm>>
    tpu.enqueue_dma source(%dma_start3A_266 : memref<8x128xf32, #tpu.memory_space<hbm>>) target(%dma_start3A_264 : memref<8x128xf32, #tpu.memory_space<vmem>>) target_semaphore(%dma_start3A_260 : memref<!tpu.dma_semaphore, #tpu.memory_space<semaphore_mem>>)
    %shift_right_arithmetic3A_267 = arith.constant 3 : i32
    %shift_right_arithmetic3A_268 = arith.constant 4 : i32
    %shift_right_arithmetic3A_269 = arith.shrsi %shift_right_arithmetic3A_267, %shift_right_arithmetic3A_268 : i32
    %mul3A_270 = arith.constant 16 : i32
    %mul3A_271 = arith.muli %shift_right_arithmetic3A_269, %mul3A_270 : i32
    %get3A_272 = arith.index_cast %mul3A_271 : i32 to index
    %get3A_273 = tpu.vector_load %arg5[%get3A_272] {strides = array<i32>} : memref<512xi32, #tpu.memory_space<vmem>>, vector<16xi32>,
    %and3A_274 = arith.constant 3 : i32
    %and3A_275 = arith.constant 15 : i32
    %and3A_276 = arith.andi %and3A_274, %and3A_275 : i32
    %eq3A_277 = vector.broadcast %and3A_276 : i32 to vector<16xi32>
    %eq3A_278 = arith.cmpi eq, %iota3A, %eq3A_277 : vector<16xi32>
    %jit3A_279 = arith.constant 0 : i32
    %broadcast_in_dim3A_280 = vector.broadcast %jit3A_279 : i32 to vector<16xi32>
    %select_n3A_281 = arith.select %eq3A_278, %get3A_273, %broadcast_in_dim3A_280 : vector<16xi1>, vector<16xi32>
    %reduce_sum3A_282 = arith.constant true
    %reduce_sum3A_283 = vector.broadcast %reduce_sum3A_282 : i1 to vector<16xi1>
    %reduce_sum3A_284 = tpu.scan <sum>, %select_n3A_281 masked %reduce_sum3A_283 : vector<16xi32>, vector<16xi1> -> vector<16xi32>
    %reduce_sum3A_285 = vector.extract %reduce_sum3A_284[15] : i32 from vector<16xi32>
    %shift_right_arithmetic3A_286 = arith.constant 7 : i32
    %shift_right_arithmetic3A_287 = arith.shrsi %reduce_sum3A_285, %shift_right_arithmetic3A_286 : i32
    %mul3A_288 = arith.constant 128 : i32
    %mul3A_289 = arith.muli %shift_right_arithmetic3A_287, %mul3A_288 : i32
    %dma_start3A_290 = arith.constant 3 : i32
    %dma_start3A_291 = arith.constant 0 : i32
    %dma_start3A_292 = arith.constant 3 : i32
    %dma_start3A_293 = arith.constant 0 : i32
    %dma_start3A_294 = arith.constant 0 : i32
    %dma_start3A_295 = tpu.memref_slice %arg6[%dma_start3A_290, %dma_start3A_291, %dma_start3A_293, %dma_start3A_294] : memref<8x4x8x128xf32, #tpu.memory_space<vmem>> -> memref<1x1x8x128xf32, #tpu.memory_space<vmem>>
    %dma_start3A_296 = tpu.memref_squeeze %dma_start3A_295 : memref<1x1x8x128xf32, #tpu.memory_space<vmem>> -> memref<8x128xf32, #tpu.memory_space<vmem>>
    %dma_start3A_297 = arith.constant 0 : i32
    %dma_start3A_298 = tpu.memref_slice %arg2[%dma_start3A_297, %mul3A_289] : memref<32x1000000xf32, #tpu.memory_space<hbm>> -> memref<8x128xf32, #tpu.memory_space<hbm>>
    %dma_start3A_299 = tpu.memref_slice %arg8[%dma_start3A_292] : memref<8x!tpu.dma_semaphore, #tpu.memory_space<semaphore_mem>> -> memref<1x!tpu.dma_semaphore, #tpu.memory_space<semaphore_mem>>
    %dma_start3A_300 = tpu.memref_squeeze %dma_start3A_299 : memref<1x!tpu.dma_semaphore, #tpu.memory_space<semaphore_mem>> -> memref<!tpu.dma_semaphore, #tpu.memory_space<semaphore_mem>>
    %dma_start3A_301 = arith.constant 0 : i32
    %dma_start3A_302 = arith.constant 0 : i32
    %dma_start3A_303 = tpu.memref_slice %arg6[%dma_start3A_290, %dma_start3A_291, %dma_start3A_301, %dma_start3A_302] : memref<8x4x8x128xf32, #tpu.memory_space<vmem>> -> memref<1x1x8x128xf32, #tpu.memory_space<vmem>>
    %dma_start3A_304 = tpu.memref_squeeze %dma_start3A_303 : memref<1x1x8x128xf32, #tpu.memory_space<vmem>> -> memref<8x128xf32, #tpu.memory_space<vmem>>
    %dma_start3A_305 = arith.constant 0 : i32
    %dma_start3A_306 = tpu.memref_slice %arg2[%dma_start3A_305, %mul3A_289] : memref<32x1000000xf32, #tpu.memory_space<hbm>> -> memref<8x128xf32, #tpu.memory_space<hbm>>
    tpu.enqueue_dma source(%dma_start3A_306 : memref<8x128xf32, #tpu.memory_space<hbm>>) target(%dma_start3A_304 : memref<8x128xf32, #tpu.memory_space<vmem>>) target_semaphore(%dma_start3A_300 : memref<!tpu.dma_semaphore, #tpu.memory_space<semaphore_mem>>)
    %dma_start3A_307 = arith.constant 3 : i32
    %dma_start3A_308 = arith.constant 1 : i32
    %dma_start3A_309 = arith.constant 3 : i32
    %dma_start3A_310 = arith.constant 0 : i32
    %dma_start3A_311 = arith.constant 0 : i32
    %dma_start3A_312 = tpu.memref_slice %arg6[%dma_start3A_307, %dma_start3A_308, %dma_start3A_310, %dma_start3A_311] : memref<8x4x8x128xf32, #tpu.memory_space<vmem>> -> memref<1x1x8x128xf32, #tpu.memory_space<vmem>>
    %dma_start3A_313 = tpu.memref_squeeze %dma_start3A_312 : memref<1x1x8x128xf32, #tpu.memory_space<vmem>> -> memref<8x128xf32, #tpu.memory_space<vmem>>
    %dma_start3A_314 = arith.constant 8 : i32
    %dma_start3A_315 = tpu.memref_slice %arg2[%dma_start3A_314, %mul3A_289] : memref<32x1000000xf32, #tpu.memory_space<hbm>> -> memref<8x128xf32, #tpu.memory_space<hbm>>
    %dma_start3A_316 = tpu.memref_slice %arg8[%dma_start3A_309] : memref<8x!tpu.dma_semaphore, #tpu.memory_space<semaphore_mem>> -> memref<1x!tpu.dma_semaphore, #tpu.memory_space<semaphore_mem>>
    %dma_start3A_317 = tpu.memref_squeeze %dma_start3A_316 : memref<1x!tpu.dma_semaphore, #tpu.memory_space<semaphore_mem>> -> memref<!tpu.dma_semaphore, #tpu.memory_space<semaphore_mem>>
    %dma_start3A_318 = arith.constant 0 : i32
    %dma_start3A_319 = arith.constant 0 : i32
    %dma_start3A_320 = tpu.memref_slice %arg6[%dma_start3A_307, %dma_start3A_308, %dma_start3A_318, %dma_start3A_319] : memref<8x4x8x128xf32, #tpu.memory_space<vmem>> -> memref<1x1x8x128xf32, #tpu.memory_space<vmem>>
    %dma_start3A_321 = tpu.memref_squeeze %dma_start3A_320 : memref<1x1x8x128xf32, #tpu.memory_space<vmem>> -> memref<8x128xf32, #tpu.memory_space<vmem>>
    %dma_start3A_322 = arith.constant 8 : i32
    %dma_start3A_323 = tpu.memref_slice %arg2[%dma_start3A_322, %mul3A_289] : memref<32x1000000xf32, #tpu.memory_space<hbm>> -> memref<8x128xf32, #tpu.memory_space<hbm>>
    tpu.enqueue_dma source(%dma_start3A_323 : memref<8x128xf32, #tpu.memory_space<hbm>>) target(%dma_start3A_321 : memref<8x128xf32, #tpu.memory_space<vmem>>) target_semaphore(%dma_start3A_317 : memref<!tpu.dma_semaphore, #tpu.memory_space<semaphore_mem>>)
    %dma_start3A_324 = arith.constant 3 : i32
    %dma_start3A_325 = arith.constant 2 : i32
    %dma_start3A_326 = arith.constant 3 : i32
    %dma_start3A_327 = arith.constant 0 : i32
    %dma_start3A_328 = arith.constant 0 : i32
    %dma_start3A_329 = tpu.memref_slice %arg6[%dma_start3A_324, %dma_start3A_325, %dma_start3A_327, %dma_start3A_328] : memref<8x4x8x128xf32, #tpu.memory_space<vmem>> -> memref<1x1x8x128xf32, #tpu.memory_space<vmem>>
    %dma_start3A_330 = tpu.memref_squeeze %dma_start3A_329 : memref<1x1x8x128xf32, #tpu.memory_space<vmem>> -> memref<8x128xf32, #tpu.memory_space<vmem>>
    %dma_start3A_331 = arith.constant 16 : i32
    %dma_start3A_332 = tpu.memref_slice %arg2[%dma_start3A_331, %mul3A_289] : memref<32x1000000xf32, #tpu.memory_space<hbm>> -> memref<8x128xf32, #tpu.memory_space<hbm>>
    %dma_start3A_333 = tpu.memref_slice %arg8[%dma_start3A_326] : memref<8x!tpu.dma_semaphore, #tpu.memory_space<semaphore_mem>> -> memref<1x!tpu.dma_semaphore, #tpu.memory_space<semaphore_mem>>
    %dma_start3A_334 = tpu.memref_squeeze %dma_start3A_333 : memref<1x!tpu.dma_semaphore, #tpu.memory_space<semaphore_mem>> -> memref<!tpu.dma_semaphore, #tpu.memory_space<semaphore_mem>>
    %dma_start3A_335 = arith.constant 0 : i32
    %dma_start3A_336 = arith.constant 0 : i32
    %dma_start3A_337 = tpu.memref_slice %arg6[%dma_start3A_324, %dma_start3A_325, %dma_start3A_335, %dma_start3A_336] : memref<8x4x8x128xf32, #tpu.memory_space<vmem>> -> memref<1x1x8x128xf32, #tpu.memory_space<vmem>>
    %dma_start3A_338 = tpu.memref_squeeze %dma_start3A_337 : memref<1x1x8x128xf32, #tpu.memory_space<vmem>> -> memref<8x128xf32, #tpu.memory_space<vmem>>
    %dma_start3A_339 = arith.constant 16 : i32
    %dma_start3A_340 = tpu.memref_slice %arg2[%dma_start3A_339, %mul3A_289] : memref<32x1000000xf32, #tpu.memory_space<hbm>> -> memref<8x128xf32, #tpu.memory_space<hbm>>
    tpu.enqueue_dma source(%dma_start3A_340 : memref<8x128xf32, #tpu.memory_space<hbm>>) target(%dma_start3A_338 : memref<8x128xf32, #tpu.memory_space<vmem>>) target_semaphore(%dma_start3A_334 : memref<!tpu.dma_semaphore, #tpu.memory_space<semaphore_mem>>)
    %dma_start3A_341 = arith.constant 3 : i32
    %dma_start3A_342 = arith.constant 3 : i32
    %dma_start3A_343 = arith.constant 3 : i32
    %dma_start3A_344 = arith.constant 0 : i32
    %dma_start3A_345 = arith.constant 0 : i32
    %dma_start3A_346 = tpu.memref_slice %arg6[%dma_start3A_341, %dma_start3A_342, %dma_start3A_344, %dma_start3A_345] : memref<8x4x8x128xf32, #tpu.memory_space<vmem>> -> memref<1x1x8x128xf32, #tpu.memory_space<vmem>>
    %dma_start3A_347 = tpu.memref_squeeze %dma_start3A_346 : memref<1x1x8x128xf32, #tpu.memory_space<vmem>> -> memref<8x128xf32, #tpu.memory_space<vmem>>
    %dma_start3A_348 = arith.constant 24 : i32
    %dma_start3A_349 = tpu.memref_slice %arg2[%dma_start3A_348, %mul3A_289] : memref<32x1000000xf32, #tpu.memory_space<hbm>> -> memref<8x128xf32, #tpu.memory_space<hbm>>
    %dma_start3A_350 = tpu.memref_slice %arg8[%dma_start3A_343] : memref<8x!tpu.dma_semaphore, #tpu.memory_space<semaphore_mem>> -> memref<1x!tpu.dma_semaphore, #tpu.memory_space<semaphore_mem>>
    %dma_start3A_351 = tpu.memref_squeeze %dma_start3A_350 : memref<1x!tpu.dma_semaphore, #tpu.memory_space<semaphore_mem>> -> memref<!tpu.dma_semaphore, #tpu.memory_space<semaphore_mem>>
    %dma_start3A_352 = arith.constant 0 : i32
    %dma_start3A_353 = arith.constant 0 : i32
    %dma_start3A_354 = tpu.memref_slice %arg6[%dma_start3A_341, %dma_start3A_342, %dma_start3A_352, %dma_start3A_353] : memref<8x4x8x128xf32, #tpu.memory_space<vmem>> -> memref<1x1x8x128xf32, #tpu.memory_space<vmem>>
    %dma_start3A_355 = tpu.memref_squeeze %dma_start3A_354 : memref<1x1x8x128xf32, #tpu.memory_space<vmem>> -> memref<8x128xf32, #tpu.memory_space<vmem>>
    %dma_start3A_356 = arith.constant 24 : i32
    %dma_start3A_357 = tpu.memref_slice %arg2[%dma_start3A_356, %mul3A_289] : memref<32x1000000xf32, #tpu.memory_space<hbm>> -> memref<8x128xf32, #tpu.memory_space<hbm>>
    tpu.enqueue_dma source(%dma_start3A_357 : memref<8x128xf32, #tpu.memory_space<hbm>>) target(%dma_start3A_355 : memref<8x128xf32, #tpu.memory_space<vmem>>) target_semaphore(%dma_start3A_351 : memref<!tpu.dma_semaphore, #tpu.memory_space<semaphore_mem>>)
    %shift_right_arithmetic3A_358 = arith.constant 4 : i32
    %shift_right_arithmetic3A_359 = arith.constant 4 : i32
    %shift_right_arithmetic3A_360 = arith.shrsi %shift_right_arithmetic3A_358, %shift_right_arithmetic3A_359 : i32
    %mul3A_361 = arith.constant 16 : i32
    %mul3A_362 = arith.muli %shift_right_arithmetic3A_360, %mul3A_361 : i32
    %get3A_363 = arith.index_cast %mul3A_362 : i32 to index
    %get3A_364 = tpu.vector_load %arg5[%get3A_363] {strides = array<i32>} : memref<512xi32, #tpu.memory_space<vmem>>, vector<16xi32>,
    %and3A_365 = arith.constant 4 : i32
    %and3A_366 = arith.constant 15 : i32
    %and3A_367 = arith.andi %and3A_365, %and3A_366 : i32
    %eq3A_368 = vector.broadcast %and3A_367 : i32 to vector<16xi32>
    %eq3A_369 = arith.cmpi eq, %iota3A, %eq3A_368 : vector<16xi32>
    %jit3A_370 = arith.constant 0 : i32
    %broadcast_in_dim3A_371 = vector.broadcast %jit3A_370 : i32 to vector<16xi32>
    %select_n3A_372 = arith.select %eq3A_369, %get3A_364, %broadcast_in_dim3A_371 : vector<16xi1>, vector<16xi32>
    %reduce_sum3A_373 = arith.constant true
    %reduce_sum3A_374 = vector.broadcast %reduce_sum3A_373 : i1 to vector<16xi1>
    %reduce_sum3A_375 = tpu.scan <sum>, %select_n3A_372 masked %reduce_sum3A_374 : vector<16xi32>, vector<16xi1> -> vector<16xi32>
    %reduce_sum3A_376 = vector.extract %reduce_sum3A_375[15] : i32 from vector<16xi32>
    %shift_right_arithmetic3A_377 = arith.constant 7 : i32
    %shift_right_arithmetic3A_378 = arith.shrsi %reduce_sum3A_376, %shift_right_arithmetic3A_377 : i32
    %mul3A_379 = arith.constant 128 : i32
    %mul3A_380 = arith.muli %shift_right_arithmetic3A_378, %mul3A_379 : i32
    %dma_start3A_381 = arith.constant 4 : i32
    %dma_start3A_382 = arith.constant 0 : i32
    %dma_start3A_383 = arith.constant 4 : i32
    %dma_start3A_384 = arith.constant 0 : i32
    %dma_start3A_385 = arith.constant 0 : i32
    %dma_start3A_386 = tpu.memref_slice %arg6[%dma_start3A_381, %dma_start3A_382, %dma_start3A_384, %dma_start3A_385] : memref<8x4x8x128xf32, #tpu.memory_space<vmem>> -> memref<1x1x8x128xf32, #tpu.memory_space<vmem>>
    %dma_start3A_387 = tpu.memref_squeeze %dma_start3A_386 : memref<1x1x8x128xf32, #tpu.memory_space<vmem>> -> memref<8x128xf32, #tpu.memory_space<vmem>>
    %dma_start3A_388 = arith.constant 0 : i32
    %dma_start3A_389 = tpu.memref_slice %arg2[%dma_start3A_388, %mul3A_380] : memref<32x1000000xf32, #tpu.memory_space<hbm>> -> memref<8x128xf32, #tpu.memory_space<hbm>>
    %dma_start3A_390 = tpu.memref_slice %arg8[%dma_start3A_383] : memref<8x!tpu.dma_semaphore, #tpu.memory_space<semaphore_mem>> -> memref<1x!tpu.dma_semaphore, #tpu.memory_space<semaphore_mem>>
    %dma_start3A_391 = tpu.memref_squeeze %dma_start3A_390 : memref<1x!tpu.dma_semaphore, #tpu.memory_space<semaphore_mem>> -> memref<!tpu.dma_semaphore, #tpu.memory_space<semaphore_mem>>
    %dma_start3A_392 = arith.constant 0 : i32
    %dma_start3A_393 = arith.constant 0 : i32
    %dma_start3A_394 = tpu.memref_slice %arg6[%dma_start3A_381, %dma_start3A_382, %dma_start3A_392, %dma_start3A_393] : memref<8x4x8x128xf32, #tpu.memory_space<vmem>> -> memref<1x1x8x128xf32, #tpu.memory_space<vmem>>
    %dma_start3A_395 = tpu.memref_squeeze %dma_start3A_394 : memref<1x1x8x128xf32, #tpu.memory_space<vmem>> -> memref<8x128xf32, #tpu.memory_space<vmem>>
    %dma_start3A_396 = arith.constant 0 : i32
    %dma_start3A_397 = tpu.memref_slice %arg2[%dma_start3A_396, %mul3A_380] : memref<32x1000000xf32, #tpu.memory_space<hbm>> -> memref<8x128xf32, #tpu.memory_space<hbm>>
    tpu.enqueue_dma source(%dma_start3A_397 : memref<8x128xf32, #tpu.memory_space<hbm>>) target(%dma_start3A_395 : memref<8x128xf32, #tpu.memory_space<vmem>>) target_semaphore(%dma_start3A_391 : memref<!tpu.dma_semaphore, #tpu.memory_space<semaphore_mem>>)
    %dma_start3A_398 = arith.constant 4 : i32
    %dma_start3A_399 = arith.constant 1 : i32
    %dma_start3A_400 = arith.constant 4 : i32
    %dma_start3A_401 = arith.constant 0 : i32
    %dma_start3A_402 = arith.constant 0 : i32
    %dma_start3A_403 = tpu.memref_slice %arg6[%dma_start3A_398, %dma_start3A_399, %dma_start3A_401, %dma_start3A_402] : memref<8x4x8x128xf32, #tpu.memory_space<vmem>> -> memref<1x1x8x128xf32, #tpu.memory_space<vmem>>
    %dma_start3A_404 = tpu.memref_squeeze %dma_start3A_403 : memref<1x1x8x128xf32, #tpu.memory_space<vmem>> -> memref<8x128xf32, #tpu.memory_space<vmem>>
    %dma_start3A_405 = arith.constant 8 : i32
    %dma_start3A_406 = tpu.memref_slice %arg2[%dma_start3A_405, %mul3A_380] : memref<32x1000000xf32, #tpu.memory_space<hbm>> -> memref<8x128xf32, #tpu.memory_space<hbm>>
    %dma_start3A_407 = tpu.memref_slice %arg8[%dma_start3A_400] : memref<8x!tpu.dma_semaphore, #tpu.memory_space<semaphore_mem>> -> memref<1x!tpu.dma_semaphore, #tpu.memory_space<semaphore_mem>>
    %dma_start3A_408 = tpu.memref_squeeze %dma_start3A_407 : memref<1x!tpu.dma_semaphore, #tpu.memory_space<semaphore_mem>> -> memref<!tpu.dma_semaphore, #tpu.memory_space<semaphore_mem>>
    %dma_start3A_409 = arith.constant 0 : i32
    %dma_start3A_410 = arith.constant 0 : i32
    %dma_start3A_411 = tpu.memref_slice %arg6[%dma_start3A_398, %dma_start3A_399, %dma_start3A_409, %dma_start3A_410] : memref<8x4x8x128xf32, #tpu.memory_space<vmem>> -> memref<1x1x8x128xf32, #tpu.memory_space<vmem>>
    %dma_start3A_412 = tpu.memref_squeeze %dma_start3A_411 : memref<1x1x8x128xf32, #tpu.memory_space<vmem>> -> memref<8x128xf32, #tpu.memory_space<vmem>>
    %dma_start3A_413 = arith.constant 8 : i32
    %dma_start3A_414 = tpu.memref_slice %arg2[%dma_start3A_413, %mul3A_380] : memref<32x1000000xf32, #tpu.memory_space<hbm>> -> memref<8x128xf32, #tpu.memory_space<hbm>>
    tpu.enqueue_dma source(%dma_start3A_414 : memref<8x128xf32, #tpu.memory_space<hbm>>) target(%dma_start3A_412 : memref<8x128xf32, #tpu.memory_space<vmem>>) target_semaphore(%dma_start3A_408 : memref<!tpu.dma_semaphore, #tpu.memory_space<semaphore_mem>>)
    %dma_start3A_415 = arith.constant 4 : i32
    %dma_start3A_416 = arith.constant 2 : i32
    %dma_start3A_417 = arith.constant 4 : i32
    %dma_start3A_418 = arith.constant 0 : i32
    %dma_start3A_419 = arith.constant 0 : i32
    %dma_start3A_420 = tpu.memref_slice %arg6[%dma_start3A_415, %dma_start3A_416, %dma_start3A_418, %dma_start3A_419] : memref<8x4x8x128xf32, #tpu.memory_space<vmem>> -> memref<1x1x8x128xf32, #tpu.memory_space<vmem>>
    %dma_start3A_421 = tpu.memref_squeeze %dma_start3A_420 : memref<1x1x8x128xf32, #tpu.memory_space<vmem>> -> memref<8x128xf32, #tpu.memory_space<vmem>>
    %dma_start3A_422 = arith.constant 16 : i32
    %dma_start3A_423 = tpu.memref_slice %arg2[%dma_start3A_422, %mul3A_380] : memref<32x1000000xf32, #tpu.memory_space<hbm>> -> memref<8x128xf32, #tpu.memory_space<hbm>>
    %dma_start3A_424 = tpu.memref_slice %arg8[%dma_start3A_417] : memref<8x!tpu.dma_semaphore, #tpu.memory_space<semaphore_mem>> -> memref<1x!tpu.dma_semaphore, #tpu.memory_space<semaphore_mem>>
    %dma_start3A_425 = tpu.memref_squeeze %dma_start3A_424 : memref<1x!tpu.dma_semaphore, #tpu.memory_space<semaphore_mem>> -> memref<!tpu.dma_semaphore, #tpu.memory_space<semaphore_mem>>
    %dma_start3A_426 = arith.constant 0 : i32
    %dma_start3A_427 = arith.constant 0 : i32
    %dma_start3A_428 = tpu.memref_slice %arg6[%dma_start3A_415, %dma_start3A_416, %dma_start3A_426, %dma_start3A_427] : memref<8x4x8x128xf32, #tpu.memory_space<vmem>> -> memref<1x1x8x128xf32, #tpu.memory_space<vmem>>
    %dma_start3A_429 = tpu.memref_squeeze %dma_start3A_428 : memref<1x1x8x128xf32, #tpu.memory_space<vmem>> -> memref<8x128xf32, #tpu.memory_space<vmem>>
    %dma_start3A_430 = arith.constant 16 : i32
    %dma_start3A_431 = tpu.memref_slice %arg2[%dma_start3A_430, %mul3A_380] : memref<32x1000000xf32, #tpu.memory_space<hbm>> -> memref<8x128xf32, #tpu.memory_space<hbm>>
    tpu.enqueue_dma source(%dma_start3A_431 : memref<8x128xf32, #tpu.memory_space<hbm>>) target(%dma_start3A_429 : memref<8x128xf32, #tpu.memory_space<vmem>>) target_semaphore(%dma_start3A_425 : memref<!tpu.dma_semaphore, #tpu.memory_space<semaphore_mem>>)
    %dma_start3A_432 = arith.constant 4 : i32
    %dma_start3A_433 = arith.constant 3 : i32
    %dma_start3A_434 = arith.constant 4 : i32
    %dma_start3A_435 = arith.constant 0 : i32
    %dma_start3A_436 = arith.constant 0 : i32
    %dma_start3A_437 = tpu.memref_slice %arg6[%dma_start3A_432, %dma_start3A_433, %dma_start3A_435, %dma_start3A_436] : memref<8x4x8x128xf32, #tpu.memory_space<vmem>> -> memref<1x1x8x128xf32, #tpu.memory_space<vmem>>
    %dma_start3A_438 = tpu.memref_squeeze %dma_start3A_437 : memref<1x1x8x128xf32, #tpu.memory_space<vmem>> -> memref<8x128xf32, #tpu.memory_space<vmem>>
    %dma_start3A_439 = arith.constant 24 : i32
    %dma_start3A_440 = tpu.memref_slice %arg2[%dma_start3A_439, %mul3A_380] : memref<32x1000000xf32, #tpu.memory_space<hbm>> -> memref<8x128xf32, #tpu.memory_space<hbm>>
    %dma_start3A_441 = tpu.memref_slice %arg8[%dma_start3A_434] : memref<8x!tpu.dma_semaphore, #tpu.memory_space<semaphore_mem>> -> memref<1x!tpu.dma_semaphore, #tpu.memory_space<semaphore_mem>>
    %dma_start3A_442 = tpu.memref_squeeze %dma_start3A_441 : memref<1x!tpu.dma_semaphore, #tpu.memory_space<semaphore_mem>> -> memref<!tpu.dma_semaphore, #tpu.memory_space<semaphore_mem>>
    %dma_start3A_443 = arith.constant 0 : i32
    %dma_start3A_444 = arith.constant 0 : i32
    %dma_start3A_445 = tpu.memref_slice %arg6[%dma_start3A_432, %dma_start3A_433, %dma_start3A_443, %dma_start3A_444] : memref<8x4x8x128xf32, #tpu.memory_space<vmem>> -> memref<1x1x8x128xf32, #tpu.memory_space<vmem>>
    %dma_start3A_446 = tpu.memref_squeeze %dma_start3A_445 : memref<1x1x8x128xf32, #tpu.memory_space<vmem>> -> memref<8x128xf32, #tpu.memory_space<vmem>>
    %dma_start3A_447 = arith.constant 24 : i32
    %dma_start3A_448 = tpu.memref_slice %arg2[%dma_start3A_447, %mul3A_380] : memref<32x1000000xf32, #tpu.memory_space<hbm>> -> memref<8x128xf32, #tpu.memory_space<hbm>>
    tpu.enqueue_dma source(%dma_start3A_448 : memref<8x128xf32, #tpu.memory_space<hbm>>) target(%dma_start3A_446 : memref<8x128xf32, #tpu.memory_space<vmem>>) target_semaphore(%dma_start3A_442 : memref<!tpu.dma_semaphore, #tpu.memory_space<semaphore_mem>>)
    %shift_right_arithmetic3A_449 = arith.constant 5 : i32
    %shift_right_arithmetic3A_450 = arith.constant 4 : i32
    %shift_right_arithmetic3A_451 = arith.shrsi %shift_right_arithmetic3A_449, %shift_right_arithmetic3A_450 : i32
    %mul3A_452 = arith.constant 16 : i32
    %mul3A_453 = arith.muli %shift_right_arithmetic3A_451, %mul3A_452 : i32
    %get3A_454 = arith.index_cast %mul3A_453 : i32 to index
    %get3A_455 = tpu.vector_load %arg5[%get3A_454] {strides = array<i32>} : memref<512xi32, #tpu.memory_space<vmem>>, vector<16xi32>,
    %and3A_456 = arith.constant 5 : i32
    %and3A_457 = arith.constant 15 : i32
    %and3A_458 = arith.andi %and3A_456, %and3A_457 : i32
    %eq3A_459 = vector.broadcast %and3A_458 : i32 to vector<16xi32>
    %eq3A_460 = arith.cmpi eq, %iota3A, %eq3A_459 : vector<16xi32>
    %jit3A_461 = arith.constant 0 : i32
    %broadcast_in_dim3A_462 = vector.broadcast %jit3A_461 : i32 to vector<16xi32>
    %select_n3A_463 = arith.select %eq3A_460, %get3A_455, %broadcast_in_dim3A_462 : vector<16xi1>, vector<16xi32>
    %reduce_sum3A_464 = arith.constant true
    %reduce_sum3A_465 = vector.broadcast %reduce_sum3A_464 : i1 to vector<16xi1>
    %reduce_sum3A_466 = tpu.scan <sum>, %select_n3A_463 masked %reduce_sum3A_465 : vector<16xi32>, vector<16xi1> -> vector<16xi32>
    %reduce_sum3A_467 = vector.extract %reduce_sum3A_466[15] : i32 from vector<16xi32>
    %shift_right_arithmetic3A_468 = arith.constant 7 : i32
    %shift_right_arithmetic3A_469 = arith.shrsi %reduce_sum3A_467, %shift_right_arithmetic3A_468 : i32
    %mul3A_470 = arith.constant 128 : i32
    %mul3A_471 = arith.muli %shift_right_arithmetic3A_469, %mul3A_470 : i32
    %dma_start3A_472 = arith.constant 5 : i32
    %dma_start3A_473 = arith.constant 0 : i32
    %dma_start3A_474 = arith.constant 5 : i32
    %dma_start3A_475 = arith.constant 0 : i32
    %dma_start3A_476 = arith.constant 0 : i32
    %dma_start3A_477 = tpu.memref_slice %arg6[%dma_start3A_472, %dma_start3A_473, %dma_start3A_475, %dma_start3A_476] : memref<8x4x8x128xf32, #tpu.memory_space<vmem>> -> memref<1x1x8x128xf32, #tpu.memory_space<vmem>>
    %dma_start3A_478 = tpu.memref_squeeze %dma_start3A_477 : memref<1x1x8x128xf32, #tpu.memory_space<vmem>> -> memref<8x128xf32, #tpu.memory_space<vmem>>
    %dma_start3A_479 = arith.constant 0 : i32
    %dma_start3A_480 = tpu.memref_slice %arg2[%dma_start3A_479, %mul3A_471] : memref<32x1000000xf32, #tpu.memory_space<hbm>> -> memref<8x128xf32, #tpu.memory_space<hbm>>
    %dma_start3A_481 = tpu.memref_slice %arg8[%dma_start3A_474] : memref<8x!tpu.dma_semaphore, #tpu.memory_space<semaphore_mem>> -> memref<1x!tpu.dma_semaphore, #tpu.memory_space<semaphore_mem>>
    %dma_start3A_482 = tpu.memref_squeeze %dma_start3A_481 : memref<1x!tpu.dma_semaphore, #tpu.memory_space<semaphore_mem>> -> memref<!tpu.dma_semaphore, #tpu.memory_space<semaphore_mem>>
    %dma_start3A_483 = arith.constant 0 : i32
    %dma_start3A_484 = arith.constant 0 : i32
    %dma_start3A_485 = tpu.memref_slice %arg6[%dma_start3A_472, %dma_start3A_473, %dma_start3A_483, %dma_start3A_484] : memref<8x4x8x128xf32, #tpu.memory_space<vmem>> -> memref<1x1x8x128xf32, #tpu.memory_space<vmem>>
    %dma_start3A_486 = tpu.memref_squeeze %dma_start3A_485 : memref<1x1x8x128xf32, #tpu.memory_space<vmem>> -> memref<8x128xf32, #tpu.memory_space<vmem>>
    %dma_start3A_487 = arith.constant 0 : i32
    %dma_start3A_488 = tpu.memref_slice %arg2[%dma_start3A_487, %mul3A_471] : memref<32x1000000xf32, #tpu.memory_space<hbm>> -> memref<8x128xf32, #tpu.memory_space<hbm>>
    tpu.enqueue_dma source(%dma_start3A_488 : memref<8x128xf32, #tpu.memory_space<hbm>>) target(%dma_start3A_486 : memref<8x128xf32, #tpu.memory_space<vmem>>) target_semaphore(%dma_start3A_482 : memref<!tpu.dma_semaphore, #tpu.memory_space<semaphore_mem>>)
    %dma_start3A_489 = arith.constant 5 : i32
    %dma_start3A_490 = arith.constant 1 : i32
    %dma_start3A_491 = arith.constant 5 : i32
    %dma_start3A_492 = arith.constant 0 : i32
    %dma_start3A_493 = arith.constant 0 : i32
    %dma_start3A_494 = tpu.memref_slice %arg6[%dma_start3A_489, %dma_start3A_490, %dma_start3A_492, %dma_start3A_493] : memref<8x4x8x128xf32, #tpu.memory_space<vmem>> -> memref<1x1x8x128xf32, #tpu.memory_space<vmem>>
    %dma_start3A_495 = tpu.memref_squeeze %dma_start3A_494 : memref<1x1x8x128xf32, #tpu.memory_space<vmem>> -> memref<8x128xf32, #tpu.memory_space<vmem>>
    %dma_start3A_496 = arith.constant 8 : i32
    %dma_start3A_497 = tpu.memref_slice %arg2[%dma_start3A_496, %mul3A_471] : memref<32x1000000xf32, #tpu.memory_space<hbm>> -> memref<8x128xf32, #tpu.memory_space<hbm>>
    %dma_start3A_498 = tpu.memref_slice %arg8[%dma_start3A_491] : memref<8x!tpu.dma_semaphore, #tpu.memory_space<semaphore_mem>> -> memref<1x!tpu.dma_semaphore, #tpu.memory_space<semaphore_mem>>
    %dma_start3A_499 = tpu.memref_squeeze %dma_start3A_498 : memref<1x!tpu.dma_semaphore, #tpu.memory_space<semaphore_mem>> -> memref<!tpu.dma_semaphore, #tpu.memory_space<semaphore_mem>>
    %dma_start3A_500 = arith.constant 0 : i32
    %dma_start3A_501 = arith.constant 0 : i32
    %dma_start3A_502 = tpu.memref_slice %arg6[%dma_start3A_489, %dma_start3A_490, %dma_start3A_500, %dma_start3A_501] : memref<8x4x8x128xf32, #tpu.memory_space<vmem>> -> memref<1x1x8x128xf32, #tpu.memory_space<vmem>>
    %dma_start3A_503 = tpu.memref_squeeze %dma_start3A_502 : memref<1x1x8x128xf32, #tpu.memory_space<vmem>> -> memref<8x128xf32, #tpu.memory_space<vmem>>
    %dma_start3A_504 = arith.constant 8 : i32
    %dma_start3A_505 = tpu.memref_slice %arg2[%dma_start3A_504, %mul3A_471] : memref<32x1000000xf32, #tpu.memory_space<hbm>> -> memref<8x128xf32, #tpu.memory_space<hbm>>
    tpu.enqueue_dma source(%dma_start3A_505 : memref<8x128xf32, #tpu.memory_space<hbm>>) target(%dma_start3A_503 : memref<8x128xf32, #tpu.memory_space<vmem>>) target_semaphore(%dma_start3A_499 : memref<!tpu.dma_semaphore, #tpu.memory_space<semaphore_mem>>)
    %dma_start3A_506 = arith.constant 5 : i32
    %dma_start3A_507 = arith.constant 2 : i32
    %dma_start3A_508 = arith.constant 5 : i32
    %dma_start3A_509 = arith.constant 0 : i32
    %dma_start3A_510 = arith.constant 0 : i32
    %dma_start3A_511 = tpu.memref_slice %arg6[%dma_start3A_506, %dma_start3A_507, %dma_start3A_509, %dma_start3A_510] : memref<8x4x8x128xf32, #tpu.memory_space<vmem>> -> memref<1x1x8x128xf32, #tpu.memory_space<vmem>>
    %dma_start3A_512 = tpu.memref_squeeze %dma_start3A_511 : memref<1x1x8x128xf32, #tpu.memory_space<vmem>> -> memref<8x128xf32, #tpu.memory_space<vmem>>
    %dma_start3A_513 = arith.constant 16 : i32
    %dma_start3A_514 = tpu.memref_slice %arg2[%dma_start3A_513, %mul3A_471] : memref<32x1000000xf32, #tpu.memory_space<hbm>> -> memref<8x128xf32, #tpu.memory_space<hbm>>
    %dma_start3A_515 = tpu.memref_slice %arg8[%dma_start3A_508] : memref<8x!tpu.dma_semaphore, #tpu.memory_space<semaphore_mem>> -> memref<1x!tpu.dma_semaphore, #tpu.memory_space<semaphore_mem>>
    %dma_start3A_516 = tpu.memref_squeeze %dma_start3A_515 : memref<1x!tpu.dma_semaphore, #tpu.memory_space<semaphore_mem>> -> memref<!tpu.dma_semaphore, #tpu.memory_space<semaphore_mem>>
    %dma_start3A_517 = arith.constant 0 : i32
    %dma_start3A_518 = arith.constant 0 : i32
    %dma_start3A_519 = tpu.memref_slice %arg6[%dma_start3A_506, %dma_start3A_507, %dma_start3A_517, %dma_start3A_518] : memref<8x4x8x128xf32, #tpu.memory_space<vmem>> -> memref<1x1x8x128xf32, #tpu.memory_space<vmem>>
    %dma_start3A_520 = tpu.memref_squeeze %dma_start3A_519 : memref<1x1x8x128xf32, #tpu.memory_space<vmem>> -> memref<8x128xf32, #tpu.memory_space<vmem>>
    %dma_start3A_521 = arith.constant 16 : i32
    %dma_start3A_522 = tpu.memref_slice %arg2[%dma_start3A_521, %mul3A_471] : memref<32x1000000xf32, #tpu.memory_space<hbm>> -> memref<8x128xf32, #tpu.memory_space<hbm>>
    tpu.enqueue_dma source(%dma_start3A_522 : memref<8x128xf32, #tpu.memory_space<hbm>>) target(%dma_start3A_520 : memref<8x128xf32, #tpu.memory_space<vmem>>) target_semaphore(%dma_start3A_516 : memref<!tpu.dma_semaphore, #tpu.memory_space<semaphore_mem>>)
    %dma_start3A_523 = arith.constant 5 : i32
    %dma_start3A_524 = arith.constant 3 : i32
    %dma_start3A_525 = arith.constant 5 : i32
    %dma_start3A_526 = arith.constant 0 : i32
    %dma_start3A_527 = arith.constant 0 : i32
    %dma_start3A_528 = tpu.memref_slice %arg6[%dma_start3A_523, %dma_start3A_524, %dma_start3A_526, %dma_start3A_527] : memref<8x4x8x128xf32, #tpu.memory_space<vmem>> -> memref<1x1x8x128xf32, #tpu.memory_space<vmem>>
    %dma_start3A_529 = tpu.memref_squeeze %dma_start3A_528 : memref<1x1x8x128xf32, #tpu.memory_space<vmem>> -> memref<8x128xf32, #tpu.memory_space<vmem>>
    %dma_start3A_530 = arith.constant 24 : i32
    %dma_start3A_531 = tpu.memref_slice %arg2[%dma_start3A_530, %mul3A_471] : memref<32x1000000xf32, #tpu.memory_space<hbm>> -> memref<8x128xf32, #tpu.memory_space<hbm>>
    %dma_start3A_532 = tpu.memref_slice %arg8[%dma_start3A_525] : memref<8x!tpu.dma_semaphore, #tpu.memory_space<semaphore_mem>> -> memref<1x!tpu.dma_semaphore, #tpu.memory_space<semaphore_mem>>
    %dma_start3A_533 = tpu.memref_squeeze %dma_start3A_532 : memref<1x!tpu.dma_semaphore, #tpu.memory_space<semaphore_mem>> -> memref<!tpu.dma_semaphore, #tpu.memory_space<semaphore_mem>>
    %dma_start3A_534 = arith.constant 0 : i32
    %dma_start3A_535 = arith.constant 0 : i32
    %dma_start3A_536 = tpu.memref_slice %arg6[%dma_start3A_523, %dma_start3A_524, %dma_start3A_534, %dma_start3A_535] : memref<8x4x8x128xf32, #tpu.memory_space<vmem>> -> memref<1x1x8x128xf32, #tpu.memory_space<vmem>>
    %dma_start3A_537 = tpu.memref_squeeze %dma_start3A_536 : memref<1x1x8x128xf32, #tpu.memory_space<vmem>> -> memref<8x128xf32, #tpu.memory_space<vmem>>
    %dma_start3A_538 = arith.constant 24 : i32
    %dma_start3A_539 = tpu.memref_slice %arg2[%dma_start3A_538, %mul3A_471] : memref<32x1000000xf32, #tpu.memory_space<hbm>> -> memref<8x128xf32, #tpu.memory_space<hbm>>
    tpu.enqueue_dma source(%dma_start3A_539 : memref<8x128xf32, #tpu.memory_space<hbm>>) target(%dma_start3A_537 : memref<8x128xf32, #tpu.memory_space<vmem>>) target_semaphore(%dma_start3A_533 : memref<!tpu.dma_semaphore, #tpu.memory_space<semaphore_mem>>)
    %shift_right_arithmetic3A_540 = arith.constant 6 : i32
    %shift_right_arithmetic3A_541 = arith.constant 4 : i32
    %shift_right_arithmetic3A_542 = arith.shrsi %shift_right_arithmetic3A_540, %shift_right_arithmetic3A_541 : i32
    %mul3A_543 = arith.constant 16 : i32
    %mul3A_544 = arith.muli %shift_right_arithmetic3A_542, %mul3A_543 : i32
    %get3A_545 = arith.index_cast %mul3A_544 : i32 to index
    %get3A_546 = tpu.vector_load %arg5[%get3A_545] {strides = array<i32>} : memref<512xi32, #tpu.memory_space<vmem>>, vector<16xi32>,
    %and3A_547 = arith.constant 6 : i32
    %and3A_548 = arith.constant 15 : i32
    %and3A_549 = arith.andi %and3A_547, %and3A_548 : i32
    %eq3A_550 = vector.broadcast %and3A_549 : i32 to vector<16xi32>
    %eq3A_551 = arith.cmpi eq, %iota3A, %eq3A_550 : vector<16xi32>
    %jit3A_552 = arith.constant 0 : i32
    %broadcast_in_dim3A_553 = vector.broadcast %jit3A_552 : i32 to vector<16xi32>
    %select_n3A_554 = arith.select %eq3A_551, %get3A_546, %broadcast_in_dim3A_553 : vector<16xi1>, vector<16xi32>
    %reduce_sum3A_555 = arith.constant true
    %reduce_sum3A_556 = vector.broadcast %reduce_sum3A_555 : i1 to vector<16xi1>
    %reduce_sum3A_557 = tpu.scan <sum>, %select_n3A_554 masked %reduce_sum3A_556 : vector<16xi32>, vector<16xi1> -> vector<16xi32>
    %reduce_sum3A_558 = vector.extract %reduce_sum3A_557[15] : i32 from vector<16xi32>
    %shift_right_arithmetic3A_559 = arith.constant 7 : i32
    %shift_right_arithmetic3A_560 = arith.shrsi %reduce_sum3A_558, %shift_right_arithmetic3A_559 : i32
    %mul3A_561 = arith.constant 128 : i32
    %mul3A_562 = arith.muli %shift_right_arithmetic3A_560, %mul3A_561 : i32
    %dma_start3A_563 = arith.constant 6 : i32
    %dma_start3A_564 = arith.constant 0 : i32
    %dma_start3A_565 = arith.constant 6 : i32
    %dma_start3A_566 = arith.constant 0 : i32
    %dma_start3A_567 = arith.constant 0 : i32
    %dma_start3A_568 = tpu.memref_slice %arg6[%dma_start3A_563, %dma_start3A_564, %dma_start3A_566, %dma_start3A_567] : memref<8x4x8x128xf32, #tpu.memory_space<vmem>> -> memref<1x1x8x128xf32, #tpu.memory_space<vmem>>
    %dma_start3A_569 = tpu.memref_squeeze %dma_start3A_568 : memref<1x1x8x128xf32, #tpu.memory_space<vmem>> -> memref<8x128xf32, #tpu.memory_space<vmem>>
    %dma_start3A_570 = arith.constant 0 : i32
    %dma_start3A_571 = tpu.memref_slice %arg2[%dma_start3A_570, %mul3A_562] : memref<32x1000000xf32, #tpu.memory_space<hbm>> -> memref<8x128xf32, #tpu.memory_space<hbm>>
    %dma_start3A_572 = tpu.memref_slice %arg8[%dma_start3A_565] : memref<8x!tpu.dma_semaphore, #tpu.memory_space<semaphore_mem>> -> memref<1x!tpu.dma_semaphore, #tpu.memory_space<semaphore_mem>>
    %dma_start3A_573 = tpu.memref_squeeze %dma_start3A_572 : memref<1x!tpu.dma_semaphore, #tpu.memory_space<semaphore_mem>> -> memref<!tpu.dma_semaphore, #tpu.memory_space<semaphore_mem>>
    %dma_start3A_574 = arith.constant 0 : i32
    %dma_start3A_575 = arith.constant 0 : i32
    %dma_start3A_576 = tpu.memref_slice %arg6[%dma_start3A_563, %dma_start3A_564, %dma_start3A_574, %dma_start3A_575] : memref<8x4x8x128xf32, #tpu.memory_space<vmem>> -> memref<1x1x8x128xf32, #tpu.memory_space<vmem>>
    %dma_start3A_577 = tpu.memref_squeeze %dma_start3A_576 : memref<1x1x8x128xf32, #tpu.memory_space<vmem>> -> memref<8x128xf32, #tpu.memory_space<vmem>>
    %dma_start3A_578 = arith.constant 0 : i32
    %dma_start3A_579 = tpu.memref_slice %arg2[%dma_start3A_578, %mul3A_562] : memref<32x1000000xf32, #tpu.memory_space<hbm>> -> memref<8x128xf32, #tpu.memory_space<hbm>>
    tpu.enqueue_dma source(%dma_start3A_579 : memref<8x128xf32, #tpu.memory_space<hbm>>) target(%dma_start3A_577 : memref<8x128xf32, #tpu.memory_space<vmem>>) target_semaphore(%dma_start3A_573 : memref<!tpu.dma_semaphore, #tpu.memory_space<semaphore_mem>>)
    %dma_start3A_580 = arith.constant 6 : i32
    %dma_start3A_581 = arith.constant 1 : i32
    %dma_start3A_582 = arith.constant 6 : i32
    %dma_start3A_583 = arith.constant 0 : i32
    %dma_start3A_584 = arith.constant 0 : i32
    %dma_start3A_585 = tpu.memref_slice %arg6[%dma_start3A_580, %dma_start3A_581, %dma_start3A_583, %dma_start3A_584] : memref<8x4x8x128xf32, #tpu.memory_space<vmem>> -> memref<1x1x8x128xf32, #tpu.memory_space<vmem>>
    %dma_start3A_586 = tpu.memref_squeeze %dma_start3A_585 : memref<1x1x8x128xf32, #tpu.memory_space<vmem>> -> memref<8x128xf32, #tpu.memory_space<vmem>>
    %dma_start3A_587 = arith.constant 8 : i32
    %dma_start3A_588 = tpu.memref_slice %arg2[%dma_start3A_587, %mul3A_562] : memref<32x1000000xf32, #tpu.memory_space<hbm>> -> memref<8x128xf32, #tpu.memory_space<hbm>>
    %dma_start3A_589 = tpu.memref_slice %arg8[%dma_start3A_582] : memref<8x!tpu.dma_semaphore, #tpu.memory_space<semaphore_mem>> -> memref<1x!tpu.dma_semaphore, #tpu.memory_space<semaphore_mem>>
    %dma_start3A_590 = tpu.memref_squeeze %dma_start3A_589 : memref<1x!tpu.dma_semaphore, #tpu.memory_space<semaphore_mem>> -> memref<!tpu.dma_semaphore, #tpu.memory_space<semaphore_mem>>
    %dma_start3A_591 = arith.constant 0 : i32
    %dma_start3A_592 = arith.constant 0 : i32
    %dma_start3A_593 = tpu.memref_slice %arg6[%dma_start3A_580, %dma_start3A_581, %dma_start3A_591, %dma_start3A_592] : memref<8x4x8x128xf32, #tpu.memory_space<vmem>> -> memref<1x1x8x128xf32, #tpu.memory_space<vmem>>
    %dma_start3A_594 = tpu.memref_squeeze %dma_start3A_593 : memref<1x1x8x128xf32, #tpu.memory_space<vmem>> -> memref<8x128xf32, #tpu.memory_space<vmem>>
    %dma_start3A_595 = arith.constant 8 : i32
    %dma_start3A_596 = tpu.memref_slice %arg2[%dma_start3A_595, %mul3A_562] : memref<32x1000000xf32, #tpu.memory_space<hbm>> -> memref<8x128xf32, #tpu.memory_space<hbm>>
    tpu.enqueue_dma source(%dma_start3A_596 : memref<8x128xf32, #tpu.memory_space<hbm>>) target(%dma_start3A_594 : memref<8x128xf32, #tpu.memory_space<vmem>>) target_semaphore(%dma_start3A_590 : memref<!tpu.dma_semaphore, #tpu.memory_space<semaphore_mem>>)
    %dma_start3A_597 = arith.constant 6 : i32
    %dma_start3A_598 = arith.constant 2 : i32
    %dma_start3A_599 = arith.constant 6 : i32
    %dma_start3A_600 = arith.constant 0 : i32
    %dma_start3A_601 = arith.constant 0 : i32
    %dma_start3A_602 = tpu.memref_slice %arg6[%dma_start3A_597, %dma_start3A_598, %dma_start3A_600, %dma_start3A_601] : memref<8x4x8x128xf32, #tpu.memory_space<vmem>> -> memref<1x1x8x128xf32, #tpu.memory_space<vmem>>
    %dma_start3A_603 = tpu.memref_squeeze %dma_start3A_602 : memref<1x1x8x128xf32, #tpu.memory_space<vmem>> -> memref<8x128xf32, #tpu.memory_space<vmem>>
    %dma_start3A_604 = arith.constant 16 : i32
    %dma_start3A_605 = tpu.memref_slice %arg2[%dma_start3A_604, %mul3A_562] : memref<32x1000000xf32, #tpu.memory_space<hbm>> -> memref<8x128xf32, #tpu.memory_space<hbm>>
    %dma_start3A_606 = tpu.memref_slice %arg8[%dma_start3A_599] : memref<8x!tpu.dma_semaphore, #tpu.memory_space<semaphore_mem>> -> memref<1x!tpu.dma_semaphore, #tpu.memory_space<semaphore_mem>>
    %dma_start3A_607 = tpu.memref_squeeze %dma_start3A_606 : memref<1x!tpu.dma_semaphore, #tpu.memory_space<semaphore_mem>> -> memref<!tpu.dma_semaphore, #tpu.memory_space<semaphore_mem>>
    %dma_start3A_608 = arith.constant 0 : i32
    %dma_start3A_609 = arith.constant 0 : i32
    %dma_start3A_610 = tpu.memref_slice %arg6[%dma_start3A_597, %dma_start3A_598, %dma_start3A_608, %dma_start3A_609] : memref<8x4x8x128xf32, #tpu.memory_space<vmem>> -> memref<1x1x8x128xf32, #tpu.memory_space<vmem>>
    %dma_start3A_611 = tpu.memref_squeeze %dma_start3A_610 : memref<1x1x8x128xf32, #tpu.memory_space<vmem>> -> memref<8x128xf32, #tpu.memory_space<vmem>>
    %dma_start3A_612 = arith.constant 16 : i32
    %dma_start3A_613 = tpu.memref_slice %arg2[%dma_start3A_612, %mul3A_562] : memref<32x1000000xf32, #tpu.memory_space<hbm>> -> memref<8x128xf32, #tpu.memory_space<hbm>>
    tpu.enqueue_dma source(%dma_start3A_613 : memref<8x128xf32, #tpu.memory_space<hbm>>) target(%dma_start3A_611 : memref<8x128xf32, #tpu.memory_space<vmem>>) target_semaphore(%dma_start3A_607 : memref<!tpu.dma_semaphore, #tpu.memory_space<semaphore_mem>>)
    %dma_start3A_614 = arith.constant 6 : i32
    %dma_start3A_615 = arith.constant 3 : i32
    %dma_start3A_616 = arith.constant 6 : i32
    %dma_start3A_617 = arith.constant 0 : i32
    %dma_start3A_618 = arith.constant 0 : i32
    %dma_start3A_619 = tpu.memref_slice %arg6[%dma_start3A_614, %dma_start3A_615, %dma_start3A_617, %dma_start3A_618] : memref<8x4x8x128xf32, #tpu.memory_space<vmem>> -> memref<1x1x8x128xf32, #tpu.memory_space<vmem>>
    %dma_start3A_620 = tpu.memref_squeeze %dma_start3A_619 : memref<1x1x8x128xf32, #tpu.memory_space<vmem>> -> memref<8x128xf32, #tpu.memory_space<vmem>>
    %dma_start3A_621 = arith.constant 24 : i32
    %dma_start3A_622 = tpu.memref_slice %arg2[%dma_start3A_621, %mul3A_562] : memref<32x1000000xf32, #tpu.memory_space<hbm>> -> memref<8x128xf32, #tpu.memory_space<hbm>>
    %dma_start3A_623 = tpu.memref_slice %arg8[%dma_start3A_616] : memref<8x!tpu.dma_semaphore, #tpu.memory_space<semaphore_mem>> -> memref<1x!tpu.dma_semaphore, #tpu.memory_space<semaphore_mem>>
    %dma_start3A_624 = tpu.memref_squeeze %dma_start3A_623 : memref<1x!tpu.dma_semaphore, #tpu.memory_space<semaphore_mem>> -> memref<!tpu.dma_semaphore, #tpu.memory_space<semaphore_mem>>
    %dma_start3A_625 = arith.constant 0 : i32
    %dma_start3A_626 = arith.constant 0 : i32
    %dma_start3A_627 = tpu.memref_slice %arg6[%dma_start3A_614, %dma_start3A_615, %dma_start3A_625, %dma_start3A_626] : memref<8x4x8x128xf32, #tpu.memory_space<vmem>> -> memref<1x1x8x128xf32, #tpu.memory_space<vmem>>
    %dma_start3A_628 = tpu.memref_squeeze %dma_start3A_627 : memref<1x1x8x128xf32, #tpu.memory_space<vmem>> -> memref<8x128xf32, #tpu.memory_space<vmem>>
    %dma_start3A_629 = arith.constant 24 : i32
    %dma_start3A_630 = tpu.memref_slice %arg2[%dma_start3A_629, %mul3A_562] : memref<32x1000000xf32, #tpu.memory_space<hbm>> -> memref<8x128xf32, #tpu.memory_space<hbm>>
    tpu.enqueue_dma source(%dma_start3A_630 : memref<8x128xf32, #tpu.memory_space<hbm>>) target(%dma_start3A_628 : memref<8x128xf32, #tpu.memory_space<vmem>>) target_semaphore(%dma_start3A_624 : memref<!tpu.dma_semaphore, #tpu.memory_space<semaphore_mem>>)
    %shift_right_arithmetic3A_631 = arith.constant 7 : i32
    %shift_right_arithmetic3A_632 = arith.constant 4 : i32
    %shift_right_arithmetic3A_633 = arith.shrsi %shift_right_arithmetic3A_631, %shift_right_arithmetic3A_632 : i32
    %mul3A_634 = arith.constant 16 : i32
    %mul3A_635 = arith.muli %shift_right_arithmetic3A_633, %mul3A_634 : i32
    %get3A_636 = arith.index_cast %mul3A_635 : i32 to index
    %get3A_637 = tpu.vector_load %arg5[%get3A_636] {strides = array<i32>} : memref<512xi32, #tpu.memory_space<vmem>>, vector<16xi32>,
    %and3A_638 = arith.constant 7 : i32
    %and3A_639 = arith.constant 15 : i32
    %and3A_640 = arith.andi %and3A_638, %and3A_639 : i32
    %eq3A_641 = vector.broadcast %and3A_640 : i32 to vector<16xi32>
    %eq3A_642 = arith.cmpi eq, %iota3A, %eq3A_641 : vector<16xi32>
    %jit3A_643 = arith.constant 0 : i32
    %broadcast_in_dim3A_644 = vector.broadcast %jit3A_643 : i32 to vector<16xi32>
    %select_n3A_645 = arith.select %eq3A_642, %get3A_637, %broadcast_in_dim3A_644 : vector<16xi1>, vector<16xi32>
    %reduce_sum3A_646 = arith.constant true
    %reduce_sum3A_647 = vector.broadcast %reduce_sum3A_646 : i1 to vector<16xi1>
    %reduce_sum3A_648 = tpu.scan <sum>, %select_n3A_645 masked %reduce_sum3A_647 : vector<16xi32>, vector<16xi1> -> vector<16xi32>
    %reduce_sum3A_649 = vector.extract %reduce_sum3A_648[15] : i32 from vector<16xi32>
    %shift_right_arithmetic3A_650 = arith.constant 7 : i32
    %shift_right_arithmetic3A_651 = arith.shrsi %reduce_sum3A_649, %shift_right_arithmetic3A_650 : i32
    %mul3A_652 = arith.constant 128 : i32
    %mul3A_653 = arith.muli %shift_right_arithmetic3A_651, %mul3A_652 : i32
    %dma_start3A_654 = arith.constant 7 : i32
    %dma_start3A_655 = arith.constant 0 : i32
    %dma_start3A_656 = arith.constant 7 : i32
    %dma_start3A_657 = arith.constant 0 : i32
    %dma_start3A_658 = arith.constant 0 : i32
    %dma_start3A_659 = tpu.memref_slice %arg6[%dma_start3A_654, %dma_start3A_655, %dma_start3A_657, %dma_start3A_658] : memref<8x4x8x128xf32, #tpu.memory_space<vmem>> -> memref<1x1x8x128xf32, #tpu.memory_space<vmem>>
    %dma_start3A_660 = tpu.memref_squeeze %dma_start3A_659 : memref<1x1x8x128xf32, #tpu.memory_space<vmem>> -> memref<8x128xf32, #tpu.memory_space<vmem>>
    %dma_start3A_661 = arith.constant 0 : i32
    %dma_start3A_662 = tpu.memref_slice %arg2[%dma_start3A_661, %mul3A_653] : memref<32x1000000xf32, #tpu.memory_space<hbm>> -> memref<8x128xf32, #tpu.memory_space<hbm>>
    %dma_start3A_663 = tpu.memref_slice %arg8[%dma_start3A_656] : memref<8x!tpu.dma_semaphore, #tpu.memory_space<semaphore_mem>> -> memref<1x!tpu.dma_semaphore, #tpu.memory_space<semaphore_mem>>
    %dma_start3A_664 = tpu.memref_squeeze %dma_start3A_663 : memref<1x!tpu.dma_semaphore, #tpu.memory_space<semaphore_mem>> -> memref<!tpu.dma_semaphore, #tpu.memory_space<semaphore_mem>>
    %dma_start3A_665 = arith.constant 0 : i32
    %dma_start3A_666 = arith.constant 0 : i32
    %dma_start3A_667 = tpu.memref_slice %arg6[%dma_start3A_654, %dma_start3A_655, %dma_start3A_665, %dma_start3A_666] : memref<8x4x8x128xf32, #tpu.memory_space<vmem>> -> memref<1x1x8x128xf32, #tpu.memory_space<vmem>>
    %dma_start3A_668 = tpu.memref_squeeze %dma_start3A_667 : memref<1x1x8x128xf32, #tpu.memory_space<vmem>> -> memref<8x128xf32, #tpu.memory_space<vmem>>
    %dma_start3A_669 = arith.constant 0 : i32
    %dma_start3A_670 = tpu.memref_slice %arg2[%dma_start3A_669, %mul3A_653] : memref<32x1000000xf32, #tpu.memory_space<hbm>> -> memref<8x128xf32, #tpu.memory_space<hbm>>
    tpu.enqueue_dma source(%dma_start3A_670 : memref<8x128xf32, #tpu.memory_space<hbm>>) target(%dma_start3A_668 : memref<8x128xf32, #tpu.memory_space<vmem>>) target_semaphore(%dma_start3A_664 : memref<!tpu.dma_semaphore, #tpu.memory_space<semaphore_mem>>)
    %dma_start3A_671 = arith.constant 7 : i32
    %dma_start3A_672 = arith.constant 1 : i32
    %dma_start3A_673 = arith.constant 7 : i32
    %dma_start3A_674 = arith.constant 0 : i32
    %dma_start3A_675 = arith.constant 0 : i32
    %dma_start3A_676 = tpu.memref_slice %arg6[%dma_start3A_671, %dma_start3A_672, %dma_start3A_674, %dma_start3A_675] : memref<8x4x8x128xf32, #tpu.memory_space<vmem>> -> memref<1x1x8x128xf32, #tpu.memory_space<vmem>>
    %dma_start3A_677 = tpu.memref_squeeze %dma_start3A_676 : memref<1x1x8x128xf32, #tpu.memory_space<vmem>> -> memref<8x128xf32, #tpu.memory_space<vmem>>
    %dma_start3A_678 = arith.constant 8 : i32
    %dma_start3A_679 = tpu.memref_slice %arg2[%dma_start3A_678, %mul3A_653] : memref<32x1000000xf32, #tpu.memory_space<hbm>> -> memref<8x128xf32, #tpu.memory_space<hbm>>
    %dma_start3A_680 = tpu.memref_slice %arg8[%dma_start3A_673] : memref<8x!tpu.dma_semaphore, #tpu.memory_space<semaphore_mem>> -> memref<1x!tpu.dma_semaphore, #tpu.memory_space<semaphore_mem>>
    %dma_start3A_681 = tpu.memref_squeeze %dma_start3A_680 : memref<1x!tpu.dma_semaphore, #tpu.memory_space<semaphore_mem>> -> memref<!tpu.dma_semaphore, #tpu.memory_space<semaphore_mem>>
    %dma_start3A_682 = arith.constant 0 : i32
    %dma_start3A_683 = arith.constant 0 : i32
    %dma_start3A_684 = tpu.memref_slice %arg6[%dma_start3A_671, %dma_start3A_672, %dma_start3A_682, %dma_start3A_683] : memref<8x4x8x128xf32, #tpu.memory_space<vmem>> -> memref<1x1x8x128xf32, #tpu.memory_space<vmem>>
    %dma_start3A_685 = tpu.memref_squeeze %dma_start3A_684 : memref<1x1x8x128xf32, #tpu.memory_space<vmem>> -> memref<8x128xf32, #tpu.memory_space<vmem>>
    %dma_start3A_686 = arith.constant 8 : i32
    %dma_start3A_687 = tpu.memref_slice %arg2[%dma_start3A_686, %mul3A_653] : memref<32x1000000xf32, #tpu.memory_space<hbm>> -> memref<8x128xf32, #tpu.memory_space<hbm>>
    tpu.enqueue_dma source(%dma_start3A_687 : memref<8x128xf32, #tpu.memory_space<hbm>>) target(%dma_start3A_685 : memref<8x128xf32, #tpu.memory_space<vmem>>) target_semaphore(%dma_start3A_681 : memref<!tpu.dma_semaphore, #tpu.memory_space<semaphore_mem>>)
    %dma_start3A_688 = arith.constant 7 : i32
    %dma_start3A_689 = arith.constant 2 : i32
    %dma_start3A_690 = arith.constant 7 : i32
    %dma_start3A_691 = arith.constant 0 : i32
    %dma_start3A_692 = arith.constant 0 : i32
    %dma_start3A_693 = tpu.memref_slice %arg6[%dma_start3A_688, %dma_start3A_689, %dma_start3A_691, %dma_start3A_692] : memref<8x4x8x128xf32, #tpu.memory_space<vmem>> -> memref<1x1x8x128xf32, #tpu.memory_space<vmem>>
    %dma_start3A_694 = tpu.memref_squeeze %dma_start3A_693 : memref<1x1x8x128xf32, #tpu.memory_space<vmem>> -> memref<8x128xf32, #tpu.memory_space<vmem>>
    %dma_start3A_695 = arith.constant 16 : i32
    %dma_start3A_696 = tpu.memref_slice %arg2[%dma_start3A_695, %mul3A_653] : memref<32x1000000xf32, #tpu.memory_space<hbm>> -> memref<8x128xf32, #tpu.memory_space<hbm>>
    %dma_start3A_697 = tpu.memref_slice %arg8[%dma_start3A_690] : memref<8x!tpu.dma_semaphore, #tpu.memory_space<semaphore_mem>> -> memref<1x!tpu.dma_semaphore, #tpu.memory_space<semaphore_mem>>
    %dma_start3A_698 = tpu.memref_squeeze %dma_start3A_697 : memref<1x!tpu.dma_semaphore, #tpu.memory_space<semaphore_mem>> -> memref<!tpu.dma_semaphore, #tpu.memory_space<semaphore_mem>>
    %dma_start3A_699 = arith.constant 0 : i32
    %dma_start3A_700 = arith.constant 0 : i32
    %dma_start3A_701 = tpu.memref_slice %arg6[%dma_start3A_688, %dma_start3A_689, %dma_start3A_699, %dma_start3A_700] : memref<8x4x8x128xf32, #tpu.memory_space<vmem>> -> memref<1x1x8x128xf32, #tpu.memory_space<vmem>>
    %dma_start3A_702 = tpu.memref_squeeze %dma_start3A_701 : memref<1x1x8x128xf32, #tpu.memory_space<vmem>> -> memref<8x128xf32, #tpu.memory_space<vmem>>
    %dma_start3A_703 = arith.constant 16 : i32
    %dma_start3A_704 = tpu.memref_slice %arg2[%dma_start3A_703, %mul3A_653] : memref<32x1000000xf32, #tpu.memory_space<hbm>> -> memref<8x128xf32, #tpu.memory_space<hbm>>
    tpu.enqueue_dma source(%dma_start3A_704 : memref<8x128xf32, #tpu.memory_space<hbm>>) target(%dma_start3A_702 : memref<8x128xf32, #tpu.memory_space<vmem>>) target_semaphore(%dma_start3A_698 : memref<!tpu.dma_semaphore, #tpu.memory_space<semaphore_mem>>)
    %dma_start3A_705 = arith.constant 7 : i32
    %dma_start3A_706 = arith.constant 3 : i32
    %dma_start3A_707 = arith.constant 7 : i32
    %dma_start3A_708 = arith.constant 0 : i32
    %dma_start3A_709 = arith.constant 0 : i32
    %dma_start3A_710 = tpu.memref_slice %arg6[%dma_start3A_705, %dma_start3A_706, %dma_start3A_708, %dma_start3A_709] : memref<8x4x8x128xf32, #tpu.memory_space<vmem>> -> memref<1x1x8x128xf32, #tpu.memory_space<vmem>>
    %dma_start3A_711 = tpu.memref_squeeze %dma_start3A_710 : memref<1x1x8x128xf32, #tpu.memory_space<vmem>> -> memref<8x128xf32, #tpu.memory_space<vmem>>
    %dma_start3A_712 = arith.constant 24 : i32
    %dma_start3A_713 = tpu.memref_slice %arg2[%dma_start3A_712, %mul3A_653] : memref<32x1000000xf32, #tpu.memory_space<hbm>> -> memref<8x128xf32, #tpu.memory_space<hbm>>
    %dma_start3A_714 = tpu.memref_slice %arg8[%dma_start3A_707] : memref<8x!tpu.dma_semaphore, #tpu.memory_space<semaphore_mem>> -> memref<1x!tpu.dma_semaphore, #tpu.memory_space<semaphore_mem>>
    %dma_start3A_715 = tpu.memref_squeeze %dma_start3A_714 : memref<1x!tpu.dma_semaphore, #tpu.memory_space<semaphore_mem>> -> memref<!tpu.dma_semaphore, #tpu.memory_space<semaphore_mem>>
    %dma_start3A_716 = arith.constant 0 : i32
    %dma_start3A_717 = arith.constant 0 : i32
    %dma_start3A_718 = tpu.memref_slice %arg6[%dma_start3A_705, %dma_start3A_706, %dma_start3A_716, %dma_start3A_717] : memref<8x4x8x128xf32, #tpu.memory_space<vmem>> -> memref<1x1x8x128xf32, #tpu.memory_space<vmem>>
    %dma_start3A_719 = tpu.memref_squeeze %dma_start3A_718 : memref<1x1x8x128xf32, #tpu.memory_space<vmem>> -> memref<8x128xf32, #tpu.memory_space<vmem>>
    %dma_start3A_720 = arith.constant 24 : i32
    %dma_start3A_721 = tpu.memref_slice %arg2[%dma_start3A_720, %mul3A_653] : memref<32x1000000xf32, #tpu.memory_space<hbm>> -> memref<8x128xf32, #tpu.memory_space<hbm>>
    tpu.enqueue_dma source(%dma_start3A_721 : memref<8x128xf32, #tpu.memory_space<hbm>>) target(%dma_start3A_719 : memref<8x128xf32, #tpu.memory_space<vmem>>) target_semaphore(%dma_start3A_715 : memref<!tpu.dma_semaphore, #tpu.memory_space<semaphore_mem>>)
    %scan3A = arith.constant 0 : i32
    %scan3A_722 = arith.constant 0 : i32
    %scan3A_723 = arith.constant 512 : i32
    %scan3A_724 = arith.addi %scan3A_722, %scan3A_723 : i32
    %scan3A_725 = arith.constant 1 : i32
    scf.for %scan3A_730 = %scan3A_722 to %scan3A_724 step %scan3A_725  : i32 {
      %and3A_731 = arith.constant 7 : i32
      %and3A_732 = arith.andi %scan3A_730, %and3A_731 : i32
      %dma_wait3A = arith.constant 0 : i32
      %dma_wait3A_733 = arith.constant 0 : i32
      %dma_wait3A_734 = arith.constant 0 : i32
      %dma_wait3A_735 = tpu.memref_slice %arg6[%and3A_732, %dma_wait3A, %dma_wait3A_733, %dma_wait3A_734] : memref<8x4x8x128xf32, #tpu.memory_space<vmem>> -> memref<1x1x8x128xf32, #tpu.memory_space<vmem>>
      %dma_wait3A_736 = tpu.memref_squeeze %dma_wait3A_735 : memref<1x1x8x128xf32, #tpu.memory_space<vmem>> -> memref<8x128xf32, #tpu.memory_space<vmem>>
      %dma_wait3A_737 = arith.constant 0 : i32
      %dma_wait3A_738 = arith.constant 0 : i32
      %dma_wait3A_739 = tpu.memref_slice %arg2[%dma_wait3A_737, %dma_wait3A_738] : memref<32x1000000xf32, #tpu.memory_space<hbm>> -> memref<8x128xf32, #tpu.memory_space<hbm>>
      %dma_wait3A_740 = tpu.memref_slice %arg8[%and3A_732] : memref<8x!tpu.dma_semaphore, #tpu.memory_space<semaphore_mem>> -> memref<1x!tpu.dma_semaphore, #tpu.memory_space<semaphore_mem>>
      %dma_wait3A_741 = tpu.memref_squeeze %dma_wait3A_740 : memref<1x!tpu.dma_semaphore, #tpu.memory_space<semaphore_mem>> -> memref<!tpu.dma_semaphore, #tpu.memory_space<semaphore_mem>>
      %dma_wait3A_742 = arith.constant 0 : i32
      %dma_wait3A_743 = arith.constant 0 : i32
      %dma_wait3A_744 = tpu.memref_slice %arg6[%and3A_732, %dma_wait3A, %dma_wait3A_742, %dma_wait3A_743] : memref<8x4x8x128xf32, #tpu.memory_space<vmem>> -> memref<1x1x8x128xf32, #tpu.memory_space<vmem>>
      %dma_wait3A_745 = tpu.memref_squeeze %dma_wait3A_744 : memref<1x1x8x128xf32, #tpu.memory_space<vmem>> -> memref<8x128xf32, #tpu.memory_space<vmem>>
      %dma_wait3A_746 = arith.constant 0 : i32
      %dma_wait3A_747 = arith.constant 0 : i32
      %dma_wait3A_748 = tpu.memref_slice %arg2[%dma_wait3A_746, %dma_wait3A_747] : memref<32x1000000xf32, #tpu.memory_space<hbm>> -> memref<8x128xf32, #tpu.memory_space<hbm>>
      tpu.wait_dma2 semaphore(%dma_wait3A_741 : memref<!tpu.dma_semaphore, #tpu.memory_space<semaphore_mem>>) src(%dma_wait3A_748 : memref<8x128xf32, #tpu.memory_space<hbm>>) dst(%dma_wait3A_745 : memref<8x128xf32, #tpu.memory_space<vmem>>)
      %dma_wait3A_749 = arith.constant 1 : i32
      %dma_wait3A_750 = arith.constant 0 : i32
      %dma_wait3A_751 = arith.constant 0 : i32
      %dma_wait3A_752 = tpu.memref_slice %arg6[%and3A_732, %dma_wait3A_749, %dma_wait3A_750, %dma_wait3A_751] : memref<8x4x8x128xf32, #tpu.memory_space<vmem>> -> memref<1x1x8x128xf32, #tpu.memory_space<vmem>>
      %dma_wait3A_753 = tpu.memref_squeeze %dma_wait3A_752 : memref<1x1x8x128xf32, #tpu.memory_space<vmem>> -> memref<8x128xf32, #tpu.memory_space<vmem>>
      %dma_wait3A_754 = arith.constant 0 : i32
      %dma_wait3A_755 = arith.constant 0 : i32
      %dma_wait3A_756 = tpu.memref_slice %arg2[%dma_wait3A_754, %dma_wait3A_755] : memref<32x1000000xf32, #tpu.memory_space<hbm>> -> memref<8x128xf32, #tpu.memory_space<hbm>>
      %dma_wait3A_757 = tpu.memref_slice %arg8[%and3A_732] : memref<8x!tpu.dma_semaphore, #tpu.memory_space<semaphore_mem>> -> memref<1x!tpu.dma_semaphore, #tpu.memory_space<semaphore_mem>>
      %dma_wait3A_758 = tpu.memref_squeeze %dma_wait3A_757 : memref<1x!tpu.dma_semaphore, #tpu.memory_space<semaphore_mem>> -> memref<!tpu.dma_semaphore, #tpu.memory_space<semaphore_mem>>
      %dma_wait3A_759 = arith.constant 0 : i32
      %dma_wait3A_760 = arith.constant 0 : i32
      %dma_wait3A_761 = tpu.memref_slice %arg6[%and3A_732, %dma_wait3A_749, %dma_wait3A_759, %dma_wait3A_760] : memref<8x4x8x128xf32, #tpu.memory_space<vmem>> -> memref<1x1x8x128xf32, #tpu.memory_space<vmem>>
      %dma_wait3A_762 = tpu.memref_squeeze %dma_wait3A_761 : memref<1x1x8x128xf32, #tpu.memory_space<vmem>> -> memref<8x128xf32, #tpu.memory_space<vmem>>
      %dma_wait3A_763 = arith.constant 0 : i32
      %dma_wait3A_764 = arith.constant 0 : i32
      %dma_wait3A_765 = tpu.memref_slice %arg2[%dma_wait3A_763, %dma_wait3A_764] : memref<32x1000000xf32, #tpu.memory_space<hbm>> -> memref<8x128xf32, #tpu.memory_space<hbm>>
      tpu.wait_dma2 semaphore(%dma_wait3A_758 : memref<!tpu.dma_semaphore, #tpu.memory_space<semaphore_mem>>) src(%dma_wait3A_765 : memref<8x128xf32, #tpu.memory_space<hbm>>) dst(%dma_wait3A_762 : memref<8x128xf32, #tpu.memory_space<vmem>>)
      %dma_wait3A_766 = arith.constant 2 : i32
      %dma_wait3A_767 = arith.constant 0 : i32
      %dma_wait3A_768 = arith.constant 0 : i32
      %dma_wait3A_769 = tpu.memref_slice %arg6[%and3A_732, %dma_wait3A_766, %dma_wait3A_767, %dma_wait3A_768] : memref<8x4x8x128xf32, #tpu.memory_space<vmem>> -> memref<1x1x8x128xf32, #tpu.memory_space<vmem>>
      %dma_wait3A_770 = tpu.memref_squeeze %dma_wait3A_769 : memref<1x1x8x128xf32, #tpu.memory_space<vmem>> -> memref<8x128xf32, #tpu.memory_space<vmem>>
      %dma_wait3A_771 = arith.constant 0 : i32
      %dma_wait3A_772 = arith.constant 0 : i32
      %dma_wait3A_773 = tpu.memref_slice %arg2[%dma_wait3A_771, %dma_wait3A_772] : memref<32x1000000xf32, #tpu.memory_space<hbm>> -> memref<8x128xf32, #tpu.memory_space<hbm>>
      %dma_wait3A_774 = tpu.memref_slice %arg8[%and3A_732] : memref<8x!tpu.dma_semaphore, #tpu.memory_space<semaphore_mem>> -> memref<1x!tpu.dma_semaphore, #tpu.memory_space<semaphore_mem>>
      %dma_wait3A_775 = tpu.memref_squeeze %dma_wait3A_774 : memref<1x!tpu.dma_semaphore, #tpu.memory_space<semaphore_mem>> -> memref<!tpu.dma_semaphore, #tpu.memory_space<semaphore_mem>>
      %dma_wait3A_776 = arith.constant 0 : i32
      %dma_wait3A_777 = arith.constant 0 : i32
      %dma_wait3A_778 = tpu.memref_slice %arg6[%and3A_732, %dma_wait3A_766, %dma_wait3A_776, %dma_wait3A_777] : memref<8x4x8x128xf32, #tpu.memory_space<vmem>> -> memref<1x1x8x128xf32, #tpu.memory_space<vmem>>
      %dma_wait3A_779 = tpu.memref_squeeze %dma_wait3A_778 : memref<1x1x8x128xf32, #tpu.memory_space<vmem>> -> memref<8x128xf32, #tpu.memory_space<vmem>>
      %dma_wait3A_780 = arith.constant 0 : i32
      %dma_wait3A_781 = arith.constant 0 : i32
      %dma_wait3A_782 = tpu.memref_slice %arg2[%dma_wait3A_780, %dma_wait3A_781] : memref<32x1000000xf32, #tpu.memory_space<hbm>> -> memref<8x128xf32, #tpu.memory_space<hbm>>
      tpu.wait_dma2 semaphore(%dma_wait3A_775 : memref<!tpu.dma_semaphore, #tpu.memory_space<semaphore_mem>>) src(%dma_wait3A_782 : memref<8x128xf32, #tpu.memory_space<hbm>>) dst(%dma_wait3A_779 : memref<8x128xf32, #tpu.memory_space<vmem>>)
      %dma_wait3A_783 = arith.constant 3 : i32
      %dma_wait3A_784 = arith.constant 0 : i32
      %dma_wait3A_785 = arith.constant 0 : i32
      %dma_wait3A_786 = tpu.memref_slice %arg6[%and3A_732, %dma_wait3A_783, %dma_wait3A_784, %dma_wait3A_785] : memref<8x4x8x128xf32, #tpu.memory_space<vmem>> -> memref<1x1x8x128xf32, #tpu.memory_space<vmem>>
      %dma_wait3A_787 = tpu.memref_squeeze %dma_wait3A_786 : memref<1x1x8x128xf32, #tpu.memory_space<vmem>> -> memref<8x128xf32, #tpu.memory_space<vmem>>
      %dma_wait3A_788 = arith.constant 0 : i32
      %dma_wait3A_789 = arith.constant 0 : i32
      %dma_wait3A_790 = tpu.memref_slice %arg2[%dma_wait3A_788, %dma_wait3A_789] : memref<32x1000000xf32, #tpu.memory_space<hbm>> -> memref<8x128xf32, #tpu.memory_space<hbm>>
      %dma_wait3A_791 = tpu.memref_slice %arg8[%and3A_732] : memref<8x!tpu.dma_semaphore, #tpu.memory_space<semaphore_mem>> -> memref<1x!tpu.dma_semaphore, #tpu.memory_space<semaphore_mem>>
      %dma_wait3A_792 = tpu.memref_squeeze %dma_wait3A_791 : memref<1x!tpu.dma_semaphore, #tpu.memory_space<semaphore_mem>> -> memref<!tpu.dma_semaphore, #tpu.memory_space<semaphore_mem>>
      %dma_wait3A_793 = arith.constant 0 : i32
      %dma_wait3A_794 = arith.constant 0 : i32
      %dma_wait3A_795 = tpu.memref_slice %arg6[%and3A_732, %dma_wait3A_783, %dma_wait3A_793, %dma_wait3A_794] : memref<8x4x8x128xf32, #tpu.memory_space<vmem>> -> memref<1x1x8x128xf32, #tpu.memory_space<vmem>>
      %dma_wait3A_796 = tpu.memref_squeeze %dma_wait3A_795 : memref<1x1x8x128xf32, #tpu.memory_space<vmem>> -> memref<8x128xf32, #tpu.memory_space<vmem>>
      %dma_wait3A_797 = arith.constant 0 : i32
      %dma_wait3A_798 = arith.constant 0 : i32
      %dma_wait3A_799 = tpu.memref_slice %arg2[%dma_wait3A_797, %dma_wait3A_798] : memref<32x1000000xf32, #tpu.memory_space<hbm>> -> memref<8x128xf32, #tpu.memory_space<hbm>>
      tpu.wait_dma2 semaphore(%dma_wait3A_792 : memref<!tpu.dma_semaphore, #tpu.memory_space<semaphore_mem>>) src(%dma_wait3A_799 : memref<8x128xf32, #tpu.memory_space<hbm>>) dst(%dma_wait3A_796 : memref<8x128xf32, #tpu.memory_space<vmem>>)
      %shift_right_arithmetic3A_800 = arith.constant 4 : i32
      %shift_right_arithmetic3A_801 = arith.shrsi %scan3A_730, %shift_right_arithmetic3A_800 : i32
      %mul3A_802 = arith.constant 16 : i32
      %mul3A_803 = arith.muli %shift_right_arithmetic3A_801, %mul3A_802 : i32
      %get3A_804 = arith.index_cast %mul3A_803 : i32 to index
      %get3A_805 = tpu.vector_load %arg5[%get3A_804] {strides = array<i32>} : memref<512xi32, #tpu.memory_space<vmem>>, vector<16xi32>,
      %and3A_806 = arith.constant 15 : i32
      %and3A_807 = arith.andi %scan3A_730, %and3A_806 : i32
      %eq3A_808 = vector.broadcast %and3A_807 : i32 to vector<16xi32>
      %eq3A_809 = arith.cmpi eq, %iota3A, %eq3A_808 : vector<16xi32>
      %jit3A_810 = arith.constant 0 : i32
      %broadcast_in_dim3A_811 = vector.broadcast %jit3A_810 : i32 to vector<16xi32>
      %select_n3A_812 = arith.select %eq3A_809, %get3A_805, %broadcast_in_dim3A_811 : vector<16xi1>, vector<16xi32>
      %reduce_sum3A_813 = arith.constant true
      %reduce_sum3A_814 = vector.broadcast %reduce_sum3A_813 : i1 to vector<16xi1>
      %reduce_sum3A_815 = tpu.scan <sum>, %select_n3A_812 masked %reduce_sum3A_814 : vector<16xi32>, vector<16xi1> -> vector<16xi32>
      %reduce_sum3A_816 = vector.extract %reduce_sum3A_815[15] : i32 from vector<16xi32>
      %and3A_817 = arith.constant 127 : i32
      %and3A_818 = arith.andi %reduce_sum3A_816, %and3A_817 : i32
      %broadcast_in_dim3A_819 = vector.broadcast %and3A_818 : i32 to vector<16xi32>
      %broadcast_in_dim3A_820 = vector.broadcast %scan3A_730 : i32 to vector<16xi32>
      %add3A_821 = arith.constant 0 : i32
      %add3A_822 = vector.broadcast %add3A_821 : i32 to vector<16xi32>
      %add3A_823 = arith.addi %iota3A, %add3A_822 : vector<16xi32>
      %shift_right_arithmetic3A_824 = arith.constant 3 : i32
      %shift_right_arithmetic3A_825 = vector.broadcast %shift_right_arithmetic3A_824 : i32 to vector<16xi32>
      %shift_right_arithmetic3A_826 = arith.shrsi %add3A_823, %shift_right_arithmetic3A_825 : vector<16xi32>
      %and3A_827 = arith.constant 7 : i32
      %and3A_828 = vector.broadcast %and3A_827 : i32 to vector<16xi32>
      %and3A_829 = arith.andi %add3A_823, %and3A_828 : vector<16xi32>
      %gather3A = arith.constant 0 : i32
      %gather3A_830 = arith.constant 0 : i32
      %gather3A_831 = arith.constant 0 : i32
      %gather3A_832 = tpu.memref_slice %arg6[%and3A_732, %gather3A, %gather3A_830, %gather3A_831] : memref<8x4x8x128xf32, #tpu.memory_space<vmem>> -> memref<1x4x8x128xf32, #tpu.memory_space<vmem>>
      %gather3A_833 = tpu.memref_squeeze %gather3A_832 : memref<1x4x8x128xf32, #tpu.memory_space<vmem>> -> memref<4x8x128xf32, #tpu.memory_space<vmem>>
      %gather3A_834 = tpu.vector_load_idx %gather3A_833[%shift_right_arithmetic3A_826, %and3A_829, %broadcast_in_dim3A_819] : memref<4x8x128xf32, #tpu.memory_space<vmem>>[vector<16xi32>, vector<16xi32>, vector<16xi32>], vector<16xf32>,
      tpu.vector_store_idx %arg7[%shift_right_arithmetic3A_826, %and3A_829, %broadcast_in_dim3A_820], %gather3A_834 : memref<4x8x512xf32, #tpu.memory_space<vmem>>[vector<16xi32>, vector<16xi32>, vector<16xi32>], vector<16xf32>,
      %bitcast3A = vector.bitcast %gather3A_834 : vector<16xf32> to vector<16xi32>
      %reduce_sum3A_835 = arith.constant true
      %reduce_sum3A_836 = vector.broadcast %reduce_sum3A_835 : i1 to vector<16xi1>
      %reduce_sum3A_837 = tpu.scan <sum>, %bitcast3A masked %reduce_sum3A_836 : vector<16xi32>, vector<16xi1> -> vector<16xi32>
      %reduce_sum3A_838 = vector.extract %reduce_sum3A_837[15] : i32 from vector<16xi32>
      %and3A_839 = arith.constant 0 : i32
      %and3A_840 = arith.andi %reduce_sum3A_838, %and3A_839 : i32
      %or3A = arith.constant 0 : i32
      %or3A_841 = arith.ori %or3A, %and3A_840 : i32
      %add3A_842 = arith.constant 16 : i32
      %add3A_843 = vector.broadcast %add3A_842 : i32 to vector<16xi32>
      %add3A_844 = arith.addi %iota3A, %add3A_843 : vector<16xi32>
      %shift_right_arithmetic3A_845 = arith.constant 3 : i32
      %shift_right_arithmetic3A_846 = vector.broadcast %shift_right_arithmetic3A_845 : i32 to vector<16xi32>
      %shift_right_arithmetic3A_847 = arith.shrsi %add3A_844, %shift_right_arithmetic3A_846 : vector<16xi32>
      %and3A_848 = arith.constant 7 : i32
      %and3A_849 = vector.broadcast %and3A_848 : i32 to vector<16xi32>
      %and3A_850 = arith.andi %add3A_844, %and3A_849 : vector<16xi32>
      %gather3A_851 = arith.constant 0 : i32
      %gather3A_852 = arith.constant 0 : i32
      %gather3A_853 = arith.constant 0 : i32
      %gather3A_854 = tpu.memref_slice %arg6[%and3A_732, %gather3A_851, %gather3A_852, %gather3A_853] : memref<8x4x8x128xf32, #tpu.memory_space<vmem>> -> memref<1x4x8x128xf32, #tpu.memory_space<vmem>>
      %gather3A_855 = tpu.memref_squeeze %gather3A_854 : memref<1x4x8x128xf32, #tpu.memory_space<vmem>> -> memref<4x8x128xf32, #tpu.memory_space<vmem>>
      %gather3A_856 = tpu.vector_load_idx %gather3A_855[%shift_right_arithmetic3A_847, %and3A_850, %broadcast_in_dim3A_819] : memref<4x8x128xf32, #tpu.memory_space<vmem>>[vector<16xi32>, vector<16xi32>, vector<16xi32>], vector<16xf32>,
      tpu.vector_store_idx %arg7[%shift_right_arithmetic3A_847, %and3A_850, %broadcast_in_dim3A_820], %gather3A_856 : memref<4x8x512xf32, #tpu.memory_space<vmem>>[vector<16xi32>, vector<16xi32>, vector<16xi32>], vector<16xf32>,
      %bitcast3A_857 = vector.bitcast %gather3A_856 : vector<16xf32> to vector<16xi32>
      %reduce_sum3A_858 = arith.constant true
      %reduce_sum3A_859 = vector.broadcast %reduce_sum3A_858 : i1 to vector<16xi1>
      %reduce_sum3A_860 = tpu.scan <sum>, %bitcast3A_857 masked %reduce_sum3A_859 : vector<16xi32>, vector<16xi1> -> vector<16xi32>
      %reduce_sum3A_861 = vector.extract %reduce_sum3A_860[15] : i32 from vector<16xi32>
      %and3A_862 = arith.constant 0 : i32
      %and3A_863 = arith.andi %reduce_sum3A_861, %and3A_862 : i32
      %or3A_864 = arith.ori %or3A_841, %and3A_863 : i32
      %add3A_865 = arith.constant 8 : i32
      %add3A_866 = arith.addi %scan3A_730, %add3A_865 : i32
      %lt3A = arith.constant 512 : i32
      %lt3A_867 = arith.cmpi slt, %add3A_866, %lt3A : i32
      %convert_element_type3A = arith.extui %lt3A_867 : i1 to i32
      %cond3A = arith.constant 0 : i32
      %cond3A_868 = arith.cmpi ne, %convert_element_type3A, %cond3A : i32
      scf.if %cond3A_868 {
        %shift_right_arithmetic3A_869 = arith.constant 4 : i32
        %shift_right_arithmetic3A_870 = arith.shrsi %add3A_866, %shift_right_arithmetic3A_869 : i32
        %mul3A_871 = arith.constant 16 : i32
        %mul3A_872 = arith.muli %shift_right_arithmetic3A_870, %mul3A_871 : i32
        %get3A_873 = arith.index_cast %mul3A_872 : i32 to index
        %get3A_874 = tpu.vector_load %arg5[%get3A_873] {strides = array<i32>} : memref<512xi32, #tpu.memory_space<vmem>>, vector<16xi32>,
        %and3A_875 = arith.constant 15 : i32
        %and3A_876 = arith.andi %add3A_866, %and3A_875 : i32
        %eq3A_877 = vector.broadcast %and3A_876 : i32 to vector<16xi32>
        %eq3A_878 = arith.cmpi eq, %iota3A, %eq3A_877 : vector<16xi32>
        %jit3A_879 = arith.constant 0 : i32
        %broadcast_in_dim3A_880 = vector.broadcast %jit3A_879 : i32 to vector<16xi32>
        %select_n3A_881 = arith.select %eq3A_878, %get3A_874, %broadcast_in_dim3A_880 : vector<16xi1>, vector<16xi32>
        %reduce_sum3A_882 = arith.constant true
        %reduce_sum3A_883 = vector.broadcast %reduce_sum3A_882 : i1 to vector<16xi1>
        %reduce_sum3A_884 = tpu.scan <sum>, %select_n3A_881 masked %reduce_sum3A_883 : vector<16xi32>, vector<16xi1> -> vector<16xi32>
        %reduce_sum3A_885 = vector.extract %reduce_sum3A_884[15] : i32 from vector<16xi32>
        %or3A_886 = arith.ori %reduce_sum3A_885, %or3A_864 : i32
        %shift_right_arithmetic3A_887 = arith.constant 7 : i32
        %shift_right_arithmetic3A_888 = arith.shrsi %or3A_886, %shift_right_arithmetic3A_887 : i32
        %mul3A_889 = arith.constant 128 : i32
        %mul3A_890 = arith.muli %shift_right_arithmetic3A_888, %mul3A_889 : i32
        %dma_start3A_891 = arith.constant 0 : i32
        %dma_start3A_892 = arith.constant 0 : i32
        %dma_start3A_893 = arith.constant 0 : i32
        %dma_start3A_894 = tpu.memref_slice %arg6[%and3A_732, %dma_start3A_891, %dma_start3A_892, %dma_start3A_893] : memref<8x4x8x128xf32, #tpu.memory_space<vmem>> -> memref<1x1x8x128xf32, #tpu.memory_space<vmem>>
        %dma_start3A_895 = tpu.memref_squeeze %dma_start3A_894 : memref<1x1x8x128xf32, #tpu.memory_space<vmem>> -> memref<8x128xf32, #tpu.memory_space<vmem>>
        %dma_start3A_896 = arith.constant 0 : i32
        %dma_start3A_897 = tpu.memref_slice %arg2[%dma_start3A_896, %mul3A_890] : memref<32x1000000xf32, #tpu.memory_space<hbm>> -> memref<8x128xf32, #tpu.memory_space<hbm>>
        %dma_start3A_898 = tpu.memref_slice %arg8[%and3A_732] : memref<8x!tpu.dma_semaphore, #tpu.memory_space<semaphore_mem>> -> memref<1x!tpu.dma_semaphore, #tpu.memory_space<semaphore_mem>>
        %dma_start3A_899 = tpu.memref_squeeze %dma_start3A_898 : memref<1x!tpu.dma_semaphore, #tpu.memory_space<semaphore_mem>> -> memref<!tpu.dma_semaphore, #tpu.memory_space<semaphore_mem>>
        %dma_start3A_900 = arith.constant 0 : i32
        %dma_start3A_901 = arith.constant 0 : i32
        %dma_start3A_902 = tpu.memref_slice %arg6[%and3A_732, %dma_start3A_891, %dma_start3A_900, %dma_start3A_901] : memref<8x4x8x128xf32, #tpu.memory_space<vmem>> -> memref<1x1x8x128xf32, #tpu.memory_space<vmem>>
        %dma_start3A_903 = tpu.memref_squeeze %dma_start3A_902 : memref<1x1x8x128xf32, #tpu.memory_space<vmem>> -> memref<8x128xf32, #tpu.memory_space<vmem>>
        %dma_start3A_904 = arith.constant 0 : i32
        %dma_start3A_905 = tpu.memref_slice %arg2[%dma_start3A_904, %mul3A_890] : memref<32x1000000xf32, #tpu.memory_space<hbm>> -> memref<8x128xf32, #tpu.memory_space<hbm>>
        tpu.enqueue_dma source(%dma_start3A_905 : memref<8x128xf32, #tpu.memory_space<hbm>>) target(%dma_start3A_903 : memref<8x128xf32, #tpu.memory_space<vmem>>) target_semaphore(%dma_start3A_899 : memref<!tpu.dma_semaphore, #tpu.memory_space<semaphore_mem>>)
        %dma_start3A_906 = arith.constant 1 : i32
        %dma_start3A_907 = arith.constant 0 : i32
        %dma_start3A_908 = arith.constant 0 : i32
        %dma_start3A_909 = tpu.memref_slice %arg6[%and3A_732, %dma_start3A_906, %dma_start3A_907, %dma_start3A_908] : memref<8x4x8x128xf32, #tpu.memory_space<vmem>> -> memref<1x1x8x128xf32, #tpu.memory_space<vmem>>
        %dma_start3A_910 = tpu.memref_squeeze %dma_start3A_909 : memref<1x1x8x128xf32, #tpu.memory_space<vmem>> -> memref<8x128xf32, #tpu.memory_space<vmem>>
        %dma_start3A_911 = arith.constant 8 : i32
        %dma_start3A_912 = tpu.memref_slice %arg2[%dma_start3A_911, %mul3A_890] : memref<32x1000000xf32, #tpu.memory_space<hbm>> -> memref<8x128xf32, #tpu.memory_space<hbm>>
        %dma_start3A_913 = tpu.memref_slice %arg8[%and3A_732] : memref<8x!tpu.dma_semaphore, #tpu.memory_space<semaphore_mem>> -> memref<1x!tpu.dma_semaphore, #tpu.memory_space<semaphore_mem>>
        %dma_start3A_914 = tpu.memref_squeeze %dma_start3A_913 : memref<1x!tpu.dma_semaphore, #tpu.memory_space<semaphore_mem>> -> memref<!tpu.dma_semaphore, #tpu.memory_space<semaphore_mem>>
        %dma_start3A_915 = arith.constant 0 : i32
        %dma_start3A_916 = arith.constant 0 : i32
        %dma_start3A_917 = tpu.memref_slice %arg6[%and3A_732, %dma_start3A_906, %dma_start3A_915, %dma_start3A_916] : memref<8x4x8x128xf32, #tpu.memory_space<vmem>> -> memref<1x1x8x128xf32, #tpu.memory_space<vmem>>
        %dma_start3A_918 = tpu.memref_squeeze %dma_start3A_917 : memref<1x1x8x128xf32, #tpu.memory_space<vmem>> -> memref<8x128xf32, #tpu.memory_space<vmem>>
        %dma_start3A_919 = arith.constant 8 : i32
        %dma_start3A_920 = tpu.memref_slice %arg2[%dma_start3A_919, %mul3A_890] : memref<32x1000000xf32, #tpu.memory_space<hbm>> -> memref<8x128xf32, #tpu.memory_space<hbm>>
        tpu.enqueue_dma source(%dma_start3A_920 : memref<8x128xf32, #tpu.memory_space<hbm>>) target(%dma_start3A_918 : memref<8x128xf32, #tpu.memory_space<vmem>>) target_semaphore(%dma_start3A_914 : memref<!tpu.dma_semaphore, #tpu.memory_space<semaphore_mem>>)
        %dma_start3A_921 = arith.constant 2 : i32
        %dma_start3A_922 = arith.constant 0 : i32
        %dma_start3A_923 = arith.constant 0 : i32
        %dma_start3A_924 = tpu.memref_slice %arg6[%and3A_732, %dma_start3A_921, %dma_start3A_922, %dma_start3A_923] : memref<8x4x8x128xf32, #tpu.memory_space<vmem>> -> memref<1x1x8x128xf32, #tpu.memory_space<vmem>>
        %dma_start3A_925 = tpu.memref_squeeze %dma_start3A_924 : memref<1x1x8x128xf32, #tpu.memory_space<vmem>> -> memref<8x128xf32, #tpu.memory_space<vmem>>
        %dma_start3A_926 = arith.constant 16 : i32
        %dma_start3A_927 = tpu.memref_slice %arg2[%dma_start3A_926, %mul3A_890] : memref<32x1000000xf32, #tpu.memory_space<hbm>> -> memref<8x128xf32, #tpu.memory_space<hbm>>
        %dma_start3A_928 = tpu.memref_slice %arg8[%and3A_732] : memref<8x!tpu.dma_semaphore, #tpu.memory_space<semaphore_mem>> -> memref<1x!tpu.dma_semaphore, #tpu.memory_space<semaphore_mem>>
        %dma_start3A_929 = tpu.memref_squeeze %dma_start3A_928 : memref<1x!tpu.dma_semaphore, #tpu.memory_space<semaphore_mem>> -> memref<!tpu.dma_semaphore, #tpu.memory_space<semaphore_mem>>
        %dma_start3A_930 = arith.constant 0 : i32
        %dma_start3A_931 = arith.constant 0 : i32
        %dma_start3A_932 = tpu.memref_slice %arg6[%and3A_732, %dma_start3A_921, %dma_start3A_930, %dma_start3A_931] : memref<8x4x8x128xf32, #tpu.memory_space<vmem>> -> memref<1x1x8x128xf32, #tpu.memory_space<vmem>>
        %dma_start3A_933 = tpu.memref_squeeze %dma_start3A_932 : memref<1x1x8x128xf32, #tpu.memory_space<vmem>> -> memref<8x128xf32, #tpu.memory_space<vmem>>
        %dma_start3A_934 = arith.constant 16 : i32
        %dma_start3A_935 = tpu.memref_slice %arg2[%dma_start3A_934, %mul3A_890] : memref<32x1000000xf32, #tpu.memory_space<hbm>> -> memref<8x128xf32, #tpu.memory_space<hbm>>
        tpu.enqueue_dma source(%dma_start3A_935 : memref<8x128xf32, #tpu.memory_space<hbm>>) target(%dma_start3A_933 : memref<8x128xf32, #tpu.memory_space<vmem>>) target_semaphore(%dma_start3A_929 : memref<!tpu.dma_semaphore, #tpu.memory_space<semaphore_mem>>)
        %dma_start3A_936 = arith.constant 3 : i32
        %dma_start3A_937 = arith.constant 0 : i32
        %dma_start3A_938 = arith.constant 0 : i32
        %dma_start3A_939 = tpu.memref_slice %arg6[%and3A_732, %dma_start3A_936, %dma_start3A_937, %dma_start3A_938] : memref<8x4x8x128xf32, #tpu.memory_space<vmem>> -> memref<1x1x8x128xf32, #tpu.memory_space<vmem>>
        %dma_start3A_940 = tpu.memref_squeeze %dma_start3A_939 : memref<1x1x8x128xf32, #tpu.memory_space<vmem>> -> memref<8x128xf32, #tpu.memory_space<vmem>>
        %dma_start3A_941 = arith.constant 24 : i32
        %dma_start3A_942 = tpu.memref_slice %arg2[%dma_start3A_941, %mul3A_890] : memref<32x1000000xf32, #tpu.memory_space<hbm>> -> memref<8x128xf32, #tpu.memory_space<hbm>>
        %dma_start3A_943 = tpu.memref_slice %arg8[%and3A_732] : memref<8x!tpu.dma_semaphore, #tpu.memory_space<semaphore_mem>> -> memref<1x!tpu.dma_semaphore, #tpu.memory_space<semaphore_mem>>
        %dma_start3A_944 = tpu.memref_squeeze %dma_start3A_943 : memref<1x!tpu.dma_semaphore, #tpu.memory_space<semaphore_mem>> -> memref<!tpu.dma_semaphore, #tpu.memory_space<semaphore_mem>>
        %dma_start3A_945 = arith.constant 0 : i32
        %dma_start3A_946 = arith.constant 0 : i32
        %dma_start3A_947 = tpu.memref_slice %arg6[%and3A_732, %dma_start3A_936, %dma_start3A_945, %dma_start3A_946] : memref<8x4x8x128xf32, #tpu.memory_space<vmem>> -> memref<1x1x8x128xf32, #tpu.memory_space<vmem>>
        %dma_start3A_948 = tpu.memref_squeeze %dma_start3A_947 : memref<1x1x8x128xf32, #tpu.memory_space<vmem>> -> memref<8x128xf32, #tpu.memory_space<vmem>>
        %dma_start3A_949 = arith.constant 24 : i32
        %dma_start3A_950 = tpu.memref_slice %arg2[%dma_start3A_949, %mul3A_890] : memref<32x1000000xf32, #tpu.memory_space<hbm>> -> memref<8x128xf32, #tpu.memory_space<hbm>>
        tpu.enqueue_dma source(%dma_start3A_950 : memref<8x128xf32, #tpu.memory_space<hbm>>) target(%dma_start3A_948 : memref<8x128xf32, #tpu.memory_space<vmem>>) target_semaphore(%dma_start3A_944 : memref<!tpu.dma_semaphore, #tpu.memory_space<semaphore_mem>>)
      } else {
      }
    }
    %scan3A_726 = arith.constant 512 : i32
    %run_scoped3A = arith.constant 0 : i32
    "tpu.region"() ({
      %run_scoped3A_730 = tpu.sem_alloc : memref<!tpu.dma_semaphore, #tpu.memory_space<semaphore_mem>>
      %dma_start3A_731 = arith.constant 0 : i32
      %dma_start3A_732 = arith.constant 0 : i32
      %dma_start3A_733 = tpu.memref_slice %arg7[%run_scoped3A, %dma_start3A_731, %dma_start3A_732] : memref<4x8x512xf32, #tpu.memory_space<vmem>> -> memref<1x8x512xf32, #tpu.memory_space<vmem>>
      %dma_start3A_734 = tpu.memref_squeeze %dma_start3A_733 : memref<1x8x512xf32, #tpu.memory_space<vmem>> -> memref<8x512xf32, #tpu.memory_space<vmem>>
      %dma_start3A_735 = arith.constant 0 : i32
      %dma_start3A_736 = tpu.memref_slice %arg4[%dma_start3A_735, %mul3A_2] : memref<32x16384xf32, #tpu.memory_space<hbm>> -> memref<8x512xf32, #tpu.memory_space<hbm>>
      %dma_start3A_737 = arith.constant 0 : i32
      %dma_start3A_738 = tpu.memref_slice %arg4[%dma_start3A_737, %mul3A_2] : memref<32x16384xf32, #tpu.memory_space<hbm>> -> memref<8x512xf32, #tpu.memory_space<hbm>>
      %dma_start3A_739 = arith.constant 0 : i32
      %dma_start3A_740 = arith.constant 0 : i32
      %dma_start3A_741 = tpu.memref_slice %arg7[%run_scoped3A, %dma_start3A_739, %dma_start3A_740] : memref<4x8x512xf32, #tpu.memory_space<vmem>> -> memref<1x8x512xf32, #tpu.memory_space<vmem>>
      %dma_start3A_742 = tpu.memref_squeeze %dma_start3A_741 : memref<1x8x512xf32, #tpu.memory_space<vmem>> -> memref<8x512xf32, #tpu.memory_space<vmem>>
      tpu.enqueue_dma source(%dma_start3A_742 : memref<8x512xf32, #tpu.memory_space<vmem>>) target(%dma_start3A_738 : memref<8x512xf32, #tpu.memory_space<hbm>>) target_semaphore(%run_scoped3A_730 : memref<!tpu.dma_semaphore, #tpu.memory_space<semaphore_mem>>)
      %dma_wait3A = arith.constant 0 : i32
      %dma_wait3A_743 = arith.constant 0 : i32
      %dma_wait3A_744 = tpu.memref_slice %arg7[%run_scoped3A, %dma_wait3A, %dma_wait3A_743] : memref<4x8x512xf32, #tpu.memory_space<vmem>> -> memref<1x8x512xf32, #tpu.memory_space<vmem>>
      %dma_wait3A_745 = tpu.memref_squeeze %dma_wait3A_744 : memref<1x8x512xf32, #tpu.memory_space<vmem>> -> memref<8x512xf32, #tpu.memory_space<vmem>>
      %dma_wait3A_746 = arith.constant 0 : i32
      %dma_wait3A_747 = tpu.memref_slice %arg4[%dma_wait3A_746, %mul3A_2] : memref<32x16384xf32, #tpu.memory_space<hbm>> -> memref<8x512xf32, #tpu.memory_space<hbm>>
      %dma_wait3A_748 = arith.constant 0 : i32
      %dma_wait3A_749 = tpu.memref_slice %arg4[%dma_wait3A_748, %mul3A_2] : memref<32x16384xf32, #tpu.memory_space<hbm>> -> memref<8x512xf32, #tpu.memory_space<hbm>>
      %dma_wait3A_750 = arith.constant 0 : i32
      %dma_wait3A_751 = arith.constant 0 : i32
      %dma_wait3A_752 = tpu.memref_slice %arg7[%run_scoped3A, %dma_wait3A_750, %dma_wait3A_751] : memref<4x8x512xf32, #tpu.memory_space<vmem>> -> memref<1x8x512xf32, #tpu.memory_space<vmem>>
      %dma_wait3A_753 = tpu.memref_squeeze %dma_wait3A_752 : memref<1x8x512xf32, #tpu.memory_space<vmem>> -> memref<8x512xf32, #tpu.memory_space<vmem>>
      tpu.wait_dma2 semaphore(%run_scoped3A_730 : memref<!tpu.dma_semaphore, #tpu.memory_space<semaphore_mem>>) src(%dma_wait3A_753 : memref<8x512xf32, #tpu.memory_space<vmem>>) dst(%dma_wait3A_749 : memref<8x512xf32, #tpu.memory_space<hbm>>)
      tpu.yield
    }) : () -> ()
    %run_scoped3A_727 = arith.constant 1 : i32
    "tpu.region"() ({
      %run_scoped3A_730 = tpu.sem_alloc : memref<!tpu.dma_semaphore, #tpu.memory_space<semaphore_mem>>
      %dma_start3A_731 = arith.constant 0 : i32
      %dma_start3A_732 = arith.constant 0 : i32
      %dma_start3A_733 = tpu.memref_slice %arg7[%run_scoped3A_727, %dma_start3A_731, %dma_start3A_732] : memref<4x8x512xf32, #tpu.memory_space<vmem>> -> memref<1x8x512xf32, #tpu.memory_space<vmem>>
      %dma_start3A_734 = tpu.memref_squeeze %dma_start3A_733 : memref<1x8x512xf32, #tpu.memory_space<vmem>> -> memref<8x512xf32, #tpu.memory_space<vmem>>
      %dma_start3A_735 = arith.constant 8 : i32
      %dma_start3A_736 = tpu.memref_slice %arg4[%dma_start3A_735, %mul3A_2] : memref<32x16384xf32, #tpu.memory_space<hbm>> -> memref<8x512xf32, #tpu.memory_space<hbm>>
      %dma_start3A_737 = arith.constant 8 : i32
      %dma_start3A_738 = tpu.memref_slice %arg4[%dma_start3A_737, %mul3A_2] : memref<32x16384xf32, #tpu.memory_space<hbm>> -> memref<8x512xf32, #tpu.memory_space<hbm>>
      %dma_start3A_739 = arith.constant 0 : i32
      %dma_start3A_740 = arith.constant 0 : i32
      %dma_start3A_741 = tpu.memref_slice %arg7[%run_scoped3A_727, %dma_start3A_739, %dma_start3A_740] : memref<4x8x512xf32, #tpu.memory_space<vmem>> -> memref<1x8x512xf32, #tpu.memory_space<vmem>>
      %dma_start3A_742 = tpu.memref_squeeze %dma_start3A_741 : memref<1x8x512xf32, #tpu.memory_space<vmem>> -> memref<8x512xf32, #tpu.memory_space<vmem>>
      tpu.enqueue_dma source(%dma_start3A_742 : memref<8x512xf32, #tpu.memory_space<vmem>>) target(%dma_start3A_738 : memref<8x512xf32, #tpu.memory_space<hbm>>) target_semaphore(%run_scoped3A_730 : memref<!tpu.dma_semaphore, #tpu.memory_space<semaphore_mem>>)
      %dma_wait3A = arith.constant 0 : i32
      %dma_wait3A_743 = arith.constant 0 : i32
      %dma_wait3A_744 = tpu.memref_slice %arg7[%run_scoped3A_727, %dma_wait3A, %dma_wait3A_743] : memref<4x8x512xf32, #tpu.memory_space<vmem>> -> memref<1x8x512xf32, #tpu.memory_space<vmem>>
      %dma_wait3A_745 = tpu.memref_squeeze %dma_wait3A_744 : memref<1x8x512xf32, #tpu.memory_space<vmem>> -> memref<8x512xf32, #tpu.memory_space<vmem>>
      %dma_wait3A_746 = arith.constant 8 : i32
      %dma_wait3A_747 = tpu.memref_slice %arg4[%dma_wait3A_746, %mul3A_2] : memref<32x16384xf32, #tpu.memory_space<hbm>> -> memref<8x512xf32, #tpu.memory_space<hbm>>
      %dma_wait3A_748 = arith.constant 8 : i32
      %dma_wait3A_749 = tpu.memref_slice %arg4[%dma_wait3A_748, %mul3A_2] : memref<32x16384xf32, #tpu.memory_space<hbm>> -> memref<8x512xf32, #tpu.memory_space<hbm>>
      %dma_wait3A_750 = arith.constant 0 : i32
      %dma_wait3A_751 = arith.constant 0 : i32
      %dma_wait3A_752 = tpu.memref_slice %arg7[%run_scoped3A_727, %dma_wait3A_750, %dma_wait3A_751] : memref<4x8x512xf32, #tpu.memory_space<vmem>> -> memref<1x8x512xf32, #tpu.memory_space<vmem>>
      %dma_wait3A_753 = tpu.memref_squeeze %dma_wait3A_752 : memref<1x8x512xf32, #tpu.memory_space<vmem>> -> memref<8x512xf32, #tpu.memory_space<vmem>>
      tpu.wait_dma2 semaphore(%run_scoped3A_730 : memref<!tpu.dma_semaphore, #tpu.memory_space<semaphore_mem>>) src(%dma_wait3A_753 : memref<8x512xf32, #tpu.memory_space<vmem>>) dst(%dma_wait3A_749 : memref<8x512xf32, #tpu.memory_space<hbm>>)
      tpu.yield
    }) : () -> ()
    %run_scoped3A_728 = arith.constant 2 : i32
    "tpu.region"() ({
      %run_scoped3A_730 = tpu.sem_alloc : memref<!tpu.dma_semaphore, #tpu.memory_space<semaphore_mem>>
      %dma_start3A_731 = arith.constant 0 : i32
      %dma_start3A_732 = arith.constant 0 : i32
      %dma_start3A_733 = tpu.memref_slice %arg7[%run_scoped3A_728, %dma_start3A_731, %dma_start3A_732] : memref<4x8x512xf32, #tpu.memory_space<vmem>> -> memref<1x8x512xf32, #tpu.memory_space<vmem>>
      %dma_start3A_734 = tpu.memref_squeeze %dma_start3A_733 : memref<1x8x512xf32, #tpu.memory_space<vmem>> -> memref<8x512xf32, #tpu.memory_space<vmem>>
      %dma_start3A_735 = arith.constant 16 : i32
      %dma_start3A_736 = tpu.memref_slice %arg4[%dma_start3A_735, %mul3A_2] : memref<32x16384xf32, #tpu.memory_space<hbm>> -> memref<8x512xf32, #tpu.memory_space<hbm>>
      %dma_start3A_737 = arith.constant 16 : i32
      %dma_start3A_738 = tpu.memref_slice %arg4[%dma_start3A_737, %mul3A_2] : memref<32x16384xf32, #tpu.memory_space<hbm>> -> memref<8x512xf32, #tpu.memory_space<hbm>>
      %dma_start3A_739 = arith.constant 0 : i32
      %dma_start3A_740 = arith.constant 0 : i32
      %dma_start3A_741 = tpu.memref_slice %arg7[%run_scoped3A_728, %dma_start3A_739, %dma_start3A_740] : memref<4x8x512xf32, #tpu.memory_space<vmem>> -> memref<1x8x512xf32, #tpu.memory_space<vmem>>
      %dma_start3A_742 = tpu.memref_squeeze %dma_start3A_741 : memref<1x8x512xf32, #tpu.memory_space<vmem>> -> memref<8x512xf32, #tpu.memory_space<vmem>>
      tpu.enqueue_dma source(%dma_start3A_742 : memref<8x512xf32, #tpu.memory_space<vmem>>) target(%dma_start3A_738 : memref<8x512xf32, #tpu.memory_space<hbm>>) target_semaphore(%run_scoped3A_730 : memref<!tpu.dma_semaphore, #tpu.memory_space<semaphore_mem>>)
      %dma_wait3A = arith.constant 0 : i32
      %dma_wait3A_743 = arith.constant 0 : i32
      %dma_wait3A_744 = tpu.memref_slice %arg7[%run_scoped3A_728, %dma_wait3A, %dma_wait3A_743] : memref<4x8x512xf32, #tpu.memory_space<vmem>> -> memref<1x8x512xf32, #tpu.memory_space<vmem>>
      %dma_wait3A_745 = tpu.memref_squeeze %dma_wait3A_744 : memref<1x8x512xf32, #tpu.memory_space<vmem>> -> memref<8x512xf32, #tpu.memory_space<vmem>>
      %dma_wait3A_746 = arith.constant 16 : i32
      %dma_wait3A_747 = tpu.memref_slice %arg4[%dma_wait3A_746, %mul3A_2] : memref<32x16384xf32, #tpu.memory_space<hbm>> -> memref<8x512xf32, #tpu.memory_space<hbm>>
      %dma_wait3A_748 = arith.constant 16 : i32
      %dma_wait3A_749 = tpu.memref_slice %arg4[%dma_wait3A_748, %mul3A_2] : memref<32x16384xf32, #tpu.memory_space<hbm>> -> memref<8x512xf32, #tpu.memory_space<hbm>>
      %dma_wait3A_750 = arith.constant 0 : i32
      %dma_wait3A_751 = arith.constant 0 : i32
      %dma_wait3A_752 = tpu.memref_slice %arg7[%run_scoped3A_728, %dma_wait3A_750, %dma_wait3A_751] : memref<4x8x512xf32, #tpu.memory_space<vmem>> -> memref<1x8x512xf32, #tpu.memory_space<vmem>>
      %dma_wait3A_753 = tpu.memref_squeeze %dma_wait3A_752 : memref<1x8x512xf32, #tpu.memory_space<vmem>> -> memref<8x512xf32, #tpu.memory_space<vmem>>
      tpu.wait_dma2 semaphore(%run_scoped3A_730 : memref<!tpu.dma_semaphore, #tpu.memory_space<semaphore_mem>>) src(%dma_wait3A_753 : memref<8x512xf32, #tpu.memory_space<vmem>>) dst(%dma_wait3A_749 : memref<8x512xf32, #tpu.memory_space<hbm>>)
      tpu.yield
    }) : () -> ()
    %run_scoped3A_729 = arith.constant 3 : i32
    "tpu.region"() ({
      %run_scoped3A_730 = tpu.sem_alloc : memref<!tpu.dma_semaphore, #tpu.memory_space<semaphore_mem>>
      %dma_start3A_731 = arith.constant 0 : i32
      %dma_start3A_732 = arith.constant 0 : i32
      %dma_start3A_733 = tpu.memref_slice %arg7[%run_scoped3A_729, %dma_start3A_731, %dma_start3A_732] : memref<4x8x512xf32, #tpu.memory_space<vmem>> -> memref<1x8x512xf32, #tpu.memory_space<vmem>>
      %dma_start3A_734 = tpu.memref_squeeze %dma_start3A_733 : memref<1x8x512xf32, #tpu.memory_space<vmem>> -> memref<8x512xf32, #tpu.memory_space<vmem>>
      %dma_start3A_735 = arith.constant 24 : i32
      %dma_start3A_736 = tpu.memref_slice %arg4[%dma_start3A_735, %mul3A_2] : memref<32x16384xf32, #tpu.memory_space<hbm>> -> memref<8x512xf32, #tpu.memory_space<hbm>>
      %dma_start3A_737 = arith.constant 24 : i32
      %dma_start3A_738 = tpu.memref_slice %arg4[%dma_start3A_737, %mul3A_2] : memref<32x16384xf32, #tpu.memory_space<hbm>> -> memref<8x512xf32, #tpu.memory_space<hbm>>
      %dma_start3A_739 = arith.constant 0 : i32
      %dma_start3A_740 = arith.constant 0 : i32
      %dma_start3A_741 = tpu.memref_slice %arg7[%run_scoped3A_729, %dma_start3A_739, %dma_start3A_740] : memref<4x8x512xf32, #tpu.memory_space<vmem>> -> memref<1x8x512xf32, #tpu.memory_space<vmem>>
      %dma_start3A_742 = tpu.memref_squeeze %dma_start3A_741 : memref<1x8x512xf32, #tpu.memory_space<vmem>> -> memref<8x512xf32, #tpu.memory_space<vmem>>
      tpu.enqueue_dma source(%dma_start3A_742 : memref<8x512xf32, #tpu.memory_space<vmem>>) target(%dma_start3A_738 : memref<8x512xf32, #tpu.memory_space<hbm>>) target_semaphore(%run_scoped3A_730 : memref<!tpu.dma_semaphore, #tpu.memory_space<semaphore_mem>>)
      %dma_wait3A = arith.constant 0 : i32
      %dma_wait3A_743 = arith.constant 0 : i32
      %dma_wait3A_744 = tpu.memref_slice %arg7[%run_scoped3A_729, %dma_wait3A, %dma_wait3A_743] : memref<4x8x512xf32, #tpu.memory_space<vmem>> -> memref<1x8x512xf32, #tpu.memory_space<vmem>>
      %dma_wait3A_745 = tpu.memref_squeeze %dma_wait3A_744 : memref<1x8x512xf32, #tpu.memory_space<vmem>> -> memref<8x512xf32, #tpu.memory_space<vmem>>
      %dma_wait3A_746 = arith.constant 24 : i32
      %dma_wait3A_747 = tpu.memref_slice %arg4[%dma_wait3A_746, %mul3A_2] : memref<32x16384xf32, #tpu.memory_space<hbm>> -> memref<8x512xf32, #tpu.memory_space<hbm>>
      %dma_wait3A_748 = arith.constant 24 : i32
      %dma_wait3A_749 = tpu.memref_slice %arg4[%dma_wait3A_748, %mul3A_2] : memref<32x16384xf32, #tpu.memory_space<hbm>> -> memref<8x512xf32, #tpu.memory_space<hbm>>
      %dma_wait3A_750 = arith.constant 0 : i32
      %dma_wait3A_751 = arith.constant 0 : i32
      %dma_wait3A_752 = tpu.memref_slice %arg7[%run_scoped3A_729, %dma_wait3A_750, %dma_wait3A_751] : memref<4x8x512xf32, #tpu.memory_space<vmem>> -> memref<1x8x512xf32, #tpu.memory_space<vmem>>
      %dma_wait3A_753 = tpu.memref_squeeze %dma_wait3A_752 : memref<1x8x512xf32, #tpu.memory_space<vmem>> -> memref<8x512xf32, #tpu.memory_space<vmem>>
      tpu.wait_dma2 semaphore(%run_scoped3A_730 : memref<!tpu.dma_semaphore, #tpu.memory_space<semaphore_mem>>) src(%dma_wait3A_753 : memref<8x512xf32, #tpu.memory_space<vmem>>) dst(%dma_wait3A_749 : memref<8x512xf32, #tpu.memory_space<hbm>>)
      tpu.yield
    }) : () -> ()
    return
  }
}

</mosaic_0001>

<sc_bundles>
// kernel: kernel.3.cloned.1.call-start
scs
__scs_entry_jumppad:
0x0: {  	(pc) =	sbr.rel $0x88, $3  }
0x1: {  	(tag) =	ssettag $0x0;
	lr =	simm.s32 $0x1  }
0x2: {  	[smem:$0x3F9F] =	sst lr;
	_ =	strace $0xD0000000  }
0x3: {  	_ = 	snop  }
0x4: {  	_ = 	snop  }
0x5: {  	_ = 	snop  }
0x6: {  	_ = 	snop  }
0x7: {  	_ = 	snop  }
__scs_overlays_trampoline_lowered:
0x8: {  	[smem:$0x3FAE] =	sst s0  }
0x9: {  	[smem:$0x3FAF] =	sst s1  }
0xa: {  	[smem:$0x3FB0] =	sst s2  }
0xb: {  	[smem:$0x3FB1] =	sst s3  }
0xc: {  	[smem:$0x3FB2] =	sst s4  }
0xd: {  	[smem:$0x3FB3] =	sst s5  }
0xe: {  	[smem:$0x3FB4] =	sst s6  }
0xf: {  	[smem:$0x3FB5] =	sst s7  }
0x10: {  	[smem:$0x3FB6] =	sst s8  }
0x11: {  	[smem:$0x3FB7] =	sst s9;
	s0 =	simm.s32 @!p0 $0x0  }
0x12: {  	s1 =	sld [smem:$0x3F9D];
	s0 =	simm.s32 @p0 $0x1  }
0x13: {  	[smem:$0x3FB8] =	sst s0;
	s0 =	simm.s32 @!p1 $0x0  }
0x14: {  	s2 =	sld [smem:$0x3F9C];
	s0 =	simm.s32 @p1 $0x1  }
0x15: {  	[smem:$0x3FB9] =	sst s0;
	s0 =	simm.s32 @!p2 $0x0  }
0x16: {  	s3 =	sld [smem:$0x3FDB];
	s0 =	simm.s32 @p2 $0x1  }
0x17: {  	s4 =	simm.s32 $0x1BF5;
	[smem:$0x3FBB] =	sst s0  }
0x18: {  	s0 =	sld [smem:$0x3F9E];
	_ =	swait.ge [sflag:s4], $0x0  }
0x19: {  	s7 =	sld [smem:$0x3F9F]  }
0x1a: {  	s8 =	sadd.s32 $0xFFFFE003, lr  }
0x1b: {  	s9 =	sadd.s32 $0xFFFFFEF7, lr;
	s5 =	simm.s32 $0xFFFFFFFF;
	p2 =	slt.u32 s8, $0xFFFFF086  }
0x1c: {  	p1 =	slt.u32 s9, $0xF7A;
	s5 =	simm.s32 @!p2 $0x0  }
0x1d: {  	s5 =	simm.s32 @p1 $0x1;
	p0 =	seq.s32 s7, s2  }
0x1e: {  	s7 =	smul.u32 @!p0 $0xF7A, s2;
	p2 =	seq.s32 @!p0 s5, $0x0  }
0x1f: {  	s9 =	smul.u32 $0xF7A, s1;
	s8 =	simm.s32 @!p0 $0x1BF5;
	p2 =	por !p2, p0  }
0x20: {  	[sflag:s8] =	ssyncset.s32 @!p0 $0xFFFFF086;
	s6 =	sadd.s32 @!p0 s3, s7;
	s7 =	simm.s32 @!p0 $0x108  }
0x21: {  	s3 =	sadd.s32 s3, s9;
	s6 =	sadd.s32 @!p0 $0x88, s6;
	s7 =	simm.s32 @p2 $0x1082  }
0x22: {  	[simem:s7], [sflag:s8] =	dma.local @!p0 [hbm:s6], $0xF7A  }
0x23: {  	s9 =	sor.u32 $0xD0000000, s2;
	s6 =	simm.s32 $0x108;
	_ =	swait.ge @!p0 [sflag:s8], $0x0  }
0x24: {  	s3 =	sadd.s32 $0x88, s3;
	s6 =	simm.s32 @!p1 $0x1082;
	[sflag:s4] =	ssyncset.s32 $0xFFFFF086  }
0x25: {  	[simem:s6], [sflag:s4] =	dma.local [hbm:s3], $0xF7A  }
0x26: {  	[smem:$0x3F9F] =	sst s1;
	(tag) =	ssettag s2;
	_ =	strace s9  }
0x27: {  	s1 =	sld [smem:$0x3FAF]  }
0x28: {  	s2 =	sld [smem:$0x3FB0]  }
0x29: {  	s4 =	sld [smem:$0x3FB2]  }
0x2a: {  	p0 =	seq.s32 s5, $0x0;
	s5 =	sld [smem:$0x3FB3]  }
0x2b: {  	s6 =	sld [smem:$0x3FB4]  }
0x2c: {  	s7 =	sld [smem:$0x3FB5]  }
0x2d: {  	s3 =	simm.s32 $0x108;
	s8 =	sld [smem:$0x3FB6]  }
0x2e: {  	s3 =	simm.s32 @!p0 $0x1082;
	s9 =	sld [smem:$0x3FB7]  }
0x2f: {  	lr =	sadd.s32 s0, s3;
	s0 =	sld [smem:$0x3FAE]  }
0x30: {  	s3 =	sld [smem:$0x3FB1]  }
0x31: {  	[smem:$0x3FBA] =	sst s10  }
0x32: {  	s10 =	sld [smem:$0x3FB8];
	_ =	sdelay $0x3  }
0x33: {  	p0 =	seq.s32 s10, $0x1;
	s10 =	sld [smem:$0x3FBA];
	_ =	sdelay $0x3  }
0x34: {  	[smem:$0x3FBA] =	sst s10  }
0x35: {  	s10 =	sld [smem:$0x3FB9];
	_ =	sdelay $0x3  }
0x36: {  	p1 =	seq.s32 s10, $0x1;
	s10 =	sld [smem:$0x3FBA];
	_ =	sdelay $0x3  }
0x37: {  	[smem:$0x3FBA] =	sst s10  }
0x38: {  	s10 =	sld [smem:$0x3FBB]  }
0x39: {  	_ = 	snop;
	(pc) =	sbr.ind lr, $3  }
0x3a: {  	_ = 	snop  }
0x3b: {  	_ = 	snop  }
0x3c: {  	p2 =	seq.s32 s10, $0x1;
	s10 =	sld [smem:$0x3FBA]  }
0x3d: {  	_ =	shalt  }
0x3e: {  	_ =	shalt  }
0x3f: {  	_ =	shalt  }
0x40: {  	_ =	shalt  }
0x41: {  	_ =	shalt  }
0x42: {  	_ =	shalt  }
0x43: {  	_ =	shalt  }
0x44: {  	_ =	shalt  }
0x45: {  	_ =	shalt  }
0x46: {  	_ =	shalt  }
0x47: {  	_ =	shalt  }
0x48: {  	_ =	shalt  }
0x49: {  	_ =	shalt  }
0x4a: {  	_ =	shalt  }
0x4b: {  	_ =	shalt  }
0x4c: {  	_ =	shalt  }
0x4d: {  	_ =	shalt  }
0x4e: {  	_ =	shalt  }
0x4f: {  	_ =	shalt  }
0x50: {  	_ =	shalt  }
0x51: {  	_ =	shalt  }
0x52: {  	_ =	shalt  }
0x53: {  	_ =	shalt  }
0x54: {  	_ =	shalt  }
0x55: {  	_ =	shalt  }
0x56: {  	_ =	shalt  }
0x57: {  	_ =	shalt  }
0x58: {  	_ =	shalt  }
0x59: {  	_ =	shalt  }
0x5a: {  	_ =	shalt  }
0x5b: {  	_ =	shalt  }
0x5c: {  	_ =	shalt  }
0x5d: {  	_ =	shalt  }
0x5e: {  	_ =	shalt  }
0x5f: {  	_ =	shalt  }
0x60: {  	_ =	shalt  }
0x61: {  	_ =	shalt  }
0x62: {  	_ =	shalt  }
0x63: {  	_ =	shalt  }
0x64: {  	_ =	shalt  }
0x65: {  	_ =	shalt  }
0x66: {  	_ =	shalt  }
0x67: {  	_ =	shalt  }
0x68: {  	_ =	shalt  }
0x69: {  	_ =	shalt  }
0x6a: {  	_ =	shalt  }
0x6b: {  	_ =	shalt  }
0x6c: {  	_ =	shalt  }
0x6d: {  	_ =	shalt  }
0x6e: {  	_ =	shalt  }
0x6f: {  	_ =	shalt  }
0x70: {  	_ =	shalt  }
0x71: {  	_ =	shalt  }
0x72: {  	_ =	shalt  }
0x73: {  	_ =	shalt  }
0x74: {  	_ =	shalt  }
0x75: {  	_ =	shalt  }
0x76: {  	_ =	shalt  }
0x77: {  	_ =	shalt  }
0x78: {  	_ =	shalt  }
0x79: {  	_ =	shalt  }
0x7a: {  	_ =	shalt  }
0x7b: {  	_ =	shalt  }
0x7c: {  	_ =	shalt  }
0x7d: {  	_ =	shalt  }
0x7e: {  	_ =	shalt  }
0x7f: {  	_ =	shalt  }
0x80: {  	_ =	shalt  }
0x81: {  	_ =	shalt  }
0x82: {  	_ =	shalt  }
0x83: {  	_ =	shalt  }
0x84: {  	_ =	shalt  }
0x85: {  	_ =	shalt  }
0x86: {  	_ =	shalt  }
0x87: {  	_ =	shalt  }
.Lfunc_end0:
.L_simem_size_0:
called_computation_lowered:
.L_overlay_start_0:
0x88: {  	s2 =	sld [smem:$0x3FD9]  }
0x89: {  	s3 =	sld [smem:$0x3FFE];
	_ =	sdelay $0x1  }
0x8a: {  	s1 =	srdreg.scid  }
0x8b: {  	s0 =	sand.u32 $0x1, s1  }
0x8c: {  	s18 =	sshll.u32 s0, $0xA;
	s2 =	sadd.s32 s3, s2  }
0x8d: {  	s2 =	sadd.s32 s2, s18  }
0x8e: {  	[smem:$0x3FC6] =	sst s2  }
0x8f: {  	_ = 	snop  }
0x90: {  	s2 =	sld [smem:$0x3FC9]  }
0x91: {  	s19 =	sld [smem:$0x3FC8]  }
0x92: {  	s4 =	sld [smem:$0x3FD0];
	(tm) =	ssettm $0x1  }
0x93: {  	s5 =	sld [smem:$0x3FFB];
	_ =	sdelay $0x3  }
0x94: {  	_ =	strace s5  }
0x95: {  	s5 =	sld [smem:$0x3FFC];
	_ =	sdelay $0x3  }
0x96: {  	_ =	strace s5  }
0x97: {  	s5 =	sld [smem:$0x3FFD];
	_ =	sdelay $0x3  }
0x98: {  	_ =	strace s5  }
0x99: {  	_ =	strace $0x8FFFFFFF  }
0x9a: {  	s20 =	sld [smem:$0x3FDB];
	_ =	sdelay $0x1  }
0x9b: {  	s6 =	simm.s32 $_scs_section_size  }
0x9c: {  	s7 =	simm.s32 $_size__tile_overlayer_lowered;
	s8 =	simm.s32 $_tile_overlayer_lowered  }
0x9d: {  	s23 =	simm.s32 $0x1BFF;
	s22 =	sshll.u32 s8, $0x1;
	s5 =	sadd.s32 s6, s20  }
0x9e: {  	s9 =	simm.s32 $0x0;
	s21 =	sshll.u32 s7, $0x1;
	s7 =	sadd.s32 s22, s5  }
0x9f: {  	[timem:s9], [sflag:s23] =	dma.local [hbm:s7], s21  }
0xa0: {  	_ =	swait.ge [sflag:s23], s21  }
0xa1: {  	s6 =	ssub.s32 $0x0, s21;
	[sflag:s23] =	ssyncset.done $0x0  }
0xa2: {  	[sflag:s23] =	ssyncadd.s32 s6;
	_ =	sdelay $0x1  }
0xa3: {  	s24 =	simm.s32 $0x1B8B  }
0xa4: {  	_ =	swait.ge [sflag:s24], $0x1  }
0xa5: {  	[sflag:s24] =	ssyncset.done $0x0  }
0xa6: {  	s25 =	simm.s32 $0x1B8E;
	[sflag:s24] =	ssyncadd.s32 $0xFFFFFFFF  }
0xa7: {  	s26 =	simm.s32 $execute0_lowered;
	[smem:$0x3FD2] =	sst s25  }
0xa8: {  	s6 =	sshll.u32 s26, $0x1;
	_ =	strace $0x80000046;
	[dreg:$0x1] =	wrdreg $0xFFFFFFFF  }
0xa9: {  	s28 =	simm.s32 $_size_execute0_lowered;
	s5 =	sadd.s32 s5, s6;
	[dreg:$0x0] =	wrdreg $0x0  }
0xaa: {  	s6 =	sshll.u32 s28, $0x1;
	[dreg:$0x2] =	wrdreg s5  }
0xab: {  	[dreg:$0x3] =	wrdreg s6  }
0xac: {  	[dreg:$0x4] =	wrdreg $0xC0  }
0xad: {  	_ =	task [dreg:s9], $0x5FFFF  }
0xae: {  	[dreg:$0x1] =	wrdreg $0xFFFFFFFF  }
0xaf: {  	[dreg:$0x0] =	wrdreg $0x60  }
0xb0: {  	[dreg:$0x2] =	wrdreg s19  }
0xb1: {  	[dreg:$0x3] =	wrdreg s2  }
0xb2: {  	[dreg:$0x4] =	wrdreg s4  }
0xb3: {  	[dreg:$0x5] =	wrdreg $0x9  }
0xb4: {  	_ =	task.clear_ibuf [dreg:s9], $0x6FFFF;
	_ =	strace $0x90000046  }
0xb5: {  	s29 =	simm.s32 $0x9;
	_ =	strace $0x80000048  }
0xb6: {  	_ =	swait.ge [sflag:s29], $0x1  }
0xb7: {  	[sflag:s29] =	ssyncadd.s32 $0xFFFFFFFF  }
0xb8: {  	_ =	strace $0x90000048  }
0xb9: {  	_ =	sfence  }
0xba: {  	s30 =	sld [smem:$0x0];
	_ =	sdelay $0x2  }
0xbb: {  	s31 =	sshll.u32 s1, $0xD;
	s1 =	sshrl.u32 s1, $0x2  }
0xbc: {  	s3 =	sand.u32 $0x4000, s31;
	s1 =	sadd.s32 s1, s30  }
0xbd: {  	s0 =	sor.u32 s3, s0;
	s1 =	sshll.u32 s1, $0x11  }
0xbe: {  	s0 =	sor.u32 s1, s0  }
0xbf: {  	s0 =	sadd.s32 $0x8F2B, s0  }
0xc0: {  	[sflag:s0] =	ssyncadd.remote.s32 $0x1  }
0xc1: {  	_ =	sfence.sel $0xFFFF  }
0xc2: {  	[dreg:$0x0] =	wrdreg $0xFFFFFFFF;
	(pc) =	sbr.abs _section_cstart, $3  }
0xc3: {  	[dreg:$0x1] =	wrdreg $0xFFFFFFFF  }
0xc4: {  	_ =	task.clear_ibuf [dreg:s9], $0x2FFFF;
	_ =	strace $0x9FFFFFFF  }
0xc5: {  	(tm) =	ssettm $0x7FFFFFFF  }
tec
execute0_lowered:
.L_overlay_start_1:
0x0: {  	(tag) =	ssettag $0x1  }
0x1: {  	vm0 =	vmmov $0x1  }
0x2: {  	vm1 =	vcmask $0x308;
	vm2 =	vcmask $0x70C;
	vm3 =	vcmask $0xB10  }
0x3: {  	vm4 =	vcmask $0xF14;
	vm5 =	vcmask $0x1318;
	v0 =	vlaneseq.u32  }
0x4: {  	v2 =	vimm.s32 $0x1380;
	vm6 =	vcmask $0x300;
	vm7 =	vcmask $0x704  }
0x5: {  	v3 =	vimm.s32 $0x3380;
	vm8 =	vcmask $0x3B38;
	v1 =	vmul.u32 $0x80, v0  }
0x6: {  	v2 =	vsel vm6, $0x0, v2;
	v3 =	vsel vm6, $0x2000, v3;
	vm6 =	vcmask $0xB08  }
0x7: {  	s1 =	rddreg [dreg:$0x0];
	v2 =	vsel vm7, $0x80, v2;
	v3 =	vsel vm7, $0x2080, v3;
	vm7 =	vcmask $0xF0C  }
0x8: {  	s0 =	rddreg [dreg:$0x1];
	v2 =	vsel vm6, $0x100, v2;
	v3 =	vsel vm6, $0x2100, v3;
	vm6 =	vcmask $0x1310  }
0x9: {  	s2 =	rddreg [dreg:$0x2];
	v4 =	vor.u32 $0x800, v1;
	v2 =	vsel vm7, $0x180, v2;
	v3 =	vsel vm7, $0x2180, v3  }
0xa: {  	s3 =	srdreg.scid;
	s5 =	stileid.u32;
	s10 =	simm.s32 $0x9;
	vm7 =	vcmask $0x1714;
	v2 =	vsel vm6, $0x200, v2;
	v3 =	vsel vm6, $0x2200, v3  }
0xb: {  	s13 =	simm.s32 $0x6200;
	s14 =	simm.s32 $0x6600;
	s15 =	simm.s32 $0x6A00;
	vm6 =	vcmask $0x1B18;
	v2 =	vsel vm7, $0x280, v2;
	v3 =	vsel vm7, $0x2280, v3  }
0xc: {  	s16 =	simm.s32 $0x6E00;
	s17 =	simm.s32 $0x7200;
	s18 =	simm.s32 $0x7600;
	vm7 =	vcmask $0x1F1C;
	v2 =	vsel vm6, $0x300, v2;
	v3 =	vsel vm6, $0x2300, v3  }
0xd: {  	s19 =	simm.s32 $0x7A00;
	s20 =	simm.s32 $0x7E00;
	s21 =	simm.s32 $0x8200;
	vm6 =	vcmask $0x2320;
	v2 =	vsel vm7, $0x380, v2;
	v3 =	vsel vm7, $0x2380, v3  }
0xe: {  	s22 =	simm.s32 $0x9200;
	s23 =	simm.s32 $0xA200;
	s24 =	simm.s32 $0xB200;
	vm7 =	vcmask $0x2724;
	v2 =	vsel vm6, $0x1000, v2;
	v3 =	vsel vm6, $0x3000, v3  }
0xf: {  	s25 =	simm.s32 $0x0;
	s4 =	sand.u32 $0x1, s3;
	s3 =	simm.s32 $0x0;
	vm6 =	vcmask $0x2B28;
	v2 =	vsel vm7, $0x1080, v2;
	v3 =	vsel vm7, $0x3080, v3  }
0x10: {  	s5 =	sshll.u32 s5, $0xA;
	s6 =	sshll.u32 s4, $0x9;
	[smem:$0x7FF] =	sst s3;
	vm7 =	vcmask $0x2F2C;
	v2 =	vsel vm6, $0x1100, v2;
	v3 =	vsel vm6, $0x3100, v3  }
0x11: {  	s4 =	ssub.s32 $0x2, s4;
	s5 =	sor.u32 s6, s5;
	_ =	strace $0x80000047;
	vm6 =	vcmask $0x3330;
	v2 =	vsel vm7, $0x1180, v2;
	v3 =	vsel vm7, $0x3180, v3  }
0x12: {  	s31 =	sshrl.u32 s4, $0x1;
	s7 =	sshrl.u32 s5, $0x3;
	s5 =	sadd.s32 s2, s5;
	vm7 =	vcmask $0x3734;
	v2 =	vsel vm6, $0x1200, v2;
	v3 =	vsel vm6, $0x3200, v3  }
0x13: {  	s9 =	ssub.s32 s4, s31;
	s4 =	sadd.s32 s0, s7;
	s6 =	sadd.s32 $0x4000, s5;
	vm6 =	vcmask $0x171C;
	v2 =	vsel vm7, $0x1280, v2;
	v3 =	vsel vm7, $0x3280, v3  }
0x14: {  	s7 =	sadd.s32 $0x8000, s5;
	s8 =	sadd.s32 $0xC000, s5;
	s9 =	smax.u32 s9, $0x1;
	vm7 =	vcmask $0x1B20;
	v2 =	vsel vm8, $0x1300, v2;
	v3 =	vsel vm8, $0x3300, v3  }
.LBB2_1:
0x15: {  	[tilespmem:s3], [sflag:$0x9] =	stream.linear.gather [hbm4b:s4+s3], $0x200, $0x38;
	[tilespmem:$0xC200] =	vst v63  }
0x16: {  	_ =	swait.ge [sflag:s10], $0x200  }
0x17: {  	[sflag:s10] =	ssyncset.done $0x0  }
0x18: {  	[sflag:s10] =	ssyncadd.s32 $0xFFFFFE00  }
0x19: {  	v5 =	vld [tilespmem:$0x0];
	_ =	sdelay $0x4  }
0x1a: {  	v5 =	vnsel vm0, $0x0, v5  }
0x1b: {  	(xrf0) =	vadd.scan.msk.s32 $0xffff, v5;
	_ =	sdelay $0x5  }
0x1c: {  	v5, _, _ =	vpop (xrf0)  }
0x1d: {  	(v2sf) =	vpush v5, $0xF;
	_ =	sdelay $0xe  }
0x1e: {  	s0 =	spop (v2sf)  }
0x1f: {  	s0 =	sand.u32 $0xFFFFF80, s0  }
0x20: {  	s2 =	simm.s32 $0x200;
	s0 =	sadd.s32 s1, s0  }
0x21: {  	[tilespmem:s2], [sflag:$0x1] =	stream.linear.gather [hbm4b:s0+s3], $0x400, $0x38;
	[tilespmem:$0xC200] =	vst v63  }
0x22: {  	s11 =	simm.s32 $0x600;
	s26 =	sadd.s32 $0xF4280, s0  }
0x23: {  	[tilespmem:s11], [sflag:$0x1] =	stream.linear.gather [hbm4b:s26+s3], $0x400, $0x38;
	[tilespmem:$0xC200] =	vst v63  }
0x24: {  	s12 =	simm.s32 $0xA00;
	s11 =	sadd.s32 $0x1E8500, s0  }
0x25: {  	[tilespmem:s12], [sflag:$0x1] =	stream.linear.gather [hbm4b:s11+s3], $0x400, $0x38;
	[tilespmem:$0xC200] =	vst v63  }
0x26: {  	s0 =	sadd.s32 $0x2DC780, s0;
	s26 =	simm.s32 $0xE00  }
0x27: {  	[tilespmem:s26], [sflag:$0x1] =	stream.linear.gather [hbm4b:s0+s3], $0x400, $0x38;
	[tilespmem:$0xC200] =	vst v63  }
0x28: {  	v5 =	vld [tilespmem:$0x0];
	_ =	sdelay $0x4  }
0x29: {  	v5 =	vsel vm1, $0x0, v5  }
0x2a: {  	(xrf0) =	vadd.scan.msk.s32 $0xffff, v5;
	_ =	sdelay $0x5  }
0x2b: {  	v5, _, _ =	vpop (xrf0)  }
0x2c: {  	(v2sf) =	vpush v5, $0xF;
	_ =	sdelay $0xe  }
0x2d: {  	s2 =	spop (v2sf)  }
0x2e: {  	s0 =	sand.u32 $0xFFFFF80, s2  }
0x2f: {  	s11 =	simm.s32 $0x1200;
	s0 =	sadd.s32 s1, s0  }
0x30: {  	[tilespmem:s11], [sflag:$0x2] =	stream.linear.gather [hbm4b:s0+s3], $0x400, $0x38;
	[tilespmem:$0xC200] =	vst v63  }
0x31: {  	s26 =	simm.s32 $0x1600;
	s12 =	sadd.s32 $0xF4280, s0  }
0x32: {  	[tilespmem:s26], [sflag:$0x2] =	stream.linear.gather [hbm4b:s12+s3], $0x400, $0x38;
	[tilespmem:$0xC200] =	vst v63  }
0x33: {  	s11 =	sadd.s32 $0x1E8500, s0;
	s12 =	simm.s32 $0x1A00  }
0x34: {  	[tilespmem:s12], [sflag:$0x2] =	stream.linear.gather [hbm4b:s11+s3], $0x400, $0x38;
	[tilespmem:$0xC200] =	vst v63  }
0x35: {  	s0 =	sadd.s32 $0x2DC780, s0;
	s26 =	simm.s32 $0x1E00  }
0x36: {  	[tilespmem:s26], [sflag:$0x2] =	stream.linear.gather [hbm4b:s0+s3], $0x400, $0x38;
	[tilespmem:$0xC200] =	vst v63  }
0x37: {  	v5 =	vld [tilespmem:$0x0];
	_ =	sdelay $0x4  }
0x38: {  	v5 =	vsel vm2, $0x0, v5  }
0x39: {  	(xrf0) =	vadd.scan.msk.s32 $0xffff, v5;
	_ =	sdelay $0x5  }
0x3a: {  	v5, _, _ =	vpop (xrf0)  }
0x3b: {  	(v2sf) =	vpush v5, $0xF;
	_ =	sdelay $0xe  }
0x3c: {  	s2 =	spop (v2sf)  }
0x3d: {  	s0 =	sand.u32 $0xFFFFF80, s2  }
0x3e: {  	s11 =	simm.s32 $0x2200;
	s0 =	sadd.s32 s1, s0  }
0x3f: {  	[tilespmem:s11], [sflag:$0x3] =	stream.linear.gather [hbm4b:s0+s3], $0x400, $0x38;
	[tilespmem:$0xC200] =	vst v63  }
0x40: {  	s26 =	simm.s32 $0x2600;
	s12 =	sadd.s32 $0xF4280, s0  }
0x41: {  	[tilespmem:s26], [sflag:$0x3] =	stream.linear.gather [hbm4b:s12+s3], $0x400, $0x38;
	[tilespmem:$0xC200] =	vst v63  }
0x42: {  	s11 =	sadd.s32 $0x1E8500, s0;
	s12 =	simm.s32 $0x2A00  }
0x43: {  	[tilespmem:s12], [sflag:$0x3] =	stream.linear.gather [hbm4b:s11+s3], $0x400, $0x38;
	[tilespmem:$0xC200] =	vst v63  }
0x44: {  	s0 =	sadd.s32 $0x2DC780, s0;
	s26 =	simm.s32 $0x2E00  }
0x45: {  	[tilespmem:s26], [sflag:$0x3] =	stream.linear.gather [hbm4b:s0+s3], $0x400, $0x38;
	[tilespmem:$0xC200] =	vst v63  }
0x46: {  	v5 =	vld [tilespmem:$0x0];
	_ =	sdelay $0x4  }
0x47: {  	v5 =	vsel vm3, $0x0, v5  }
0x48: {  	(xrf0) =	vadd.scan.msk.s32 $0xffff, v5;
	_ =	sdelay $0x5  }
0x49: {  	v5, _, _ =	vpop (xrf0)  }
0x4a: {  	(v2sf) =	vpush v5, $0xF;
	_ =	sdelay $0xe  }
0x4b: {  	s2 =	spop (v2sf)  }
0x4c: {  	s0 =	sand.u32 $0xFFFFF80, s2  }
0x4d: {  	s11 =	simm.s32 $0x3200;
	s0 =	sadd.s32 s1, s0  }
0x4e: {  	[tilespmem:s11], [sflag:$0x4] =	stream.linear.gather [hbm4b:s0+s3], $0x400, $0x38;
	[tilespmem:$0xC200] =	vst v63  }
0x4f: {  	s26 =	simm.s32 $0x3600;
	s12 =	sadd.s32 $0xF4280, s0  }
0x50: {  	[tilespmem:s26], [sflag:$0x4] =	stream.linear.gather [hbm4b:s12+s3], $0x400, $0x38;
	[tilespmem:$0xC200] =	vst v63  }
0x51: {  	s11 =	sadd.s32 $0x1E8500, s0;
	s12 =	simm.s32 $0x3A00  }
0x52: {  	[tilespmem:s12], [sflag:$0x4] =	stream.linear.gather [hbm4b:s11+s3], $0x400, $0x38;
	[tilespmem:$0xC200] =	vst v63  }
0x53: {  	s0 =	sadd.s32 $0x2DC780, s0;
	s26 =	simm.s32 $0x3E00  }
0x54: {  	[tilespmem:s26], [sflag:$0x4] =	stream.linear.gather [hbm4b:s0+s3], $0x400, $0x38;
	[tilespmem:$0xC200] =	vst v63  }
0x55: {  	v5 =	vld [tilespmem:$0x0];
	_ =	sdelay $0x4  }
0x56: {  	v5 =	vsel vm4, $0x0, v5  }
0x57: {  	(xrf0) =	vadd.scan.msk.s32 $0xffff, v5;
	_ =	sdelay $0x5  }
0x58: {  	v5, _, _ =	vpop (xrf0)  }
0x59: {  	(v2sf) =	vpush v5, $0xF;
	_ =	sdelay $0xe  }
0x5a: {  	s2 =	spop (v2sf)  }
0x5b: {  	s0 =	sand.u32 $0xFFFFF80, s2  }
0x5c: {  	s11 =	simm.s32 $0x4200;
	s0 =	sadd.s32 s1, s0  }
0x5d: {  	[tilespmem:s11], [sflag:$0x5] =	stream.linear.gather [hbm4b:s0+s3], $0x400, $0x38;
	[tilespmem:$0xC200] =	vst v63  }
0x5e: {  	s26 =	simm.s32 $0x4600;
	s12 =	sadd.s32 $0xF4280, s0  }
0x5f: {  	[tilespmem:s26], [sflag:$0x5] =	stream.linear.gather [hbm4b:s12+s3], $0x400, $0x38;
	[tilespmem:$0xC200] =	vst v63  }
0x60: {  	s11 =	sadd.s32 $0x1E8500, s0;
	s12 =	simm.s32 $0x4A00  }
0x61: {  	[tilespmem:s12], [sflag:$0x5] =	stream.linear.gather [hbm4b:s11+s3], $0x400, $0x38;
	[tilespmem:$0xC200] =	vst v63  }
0x62: {  	s0 =	sadd.s32 $0x2DC780, s0;
	s26 =	simm.s32 $0x4E00  }
0x63: {  	[tilespmem:s26], [sflag:$0x5] =	stream.linear.gather [hbm4b:s0+s3], $0x400, $0x38;
	[tilespmem:$0xC200] =	vst v63  }
0x64: {  	v5 =	vld [tilespmem:$0x0];
	_ =	sdelay $0x4  }
0x65: {  	v5 =	vsel vm5, $0x0, v5  }
0x66: {  	(xrf0) =	vadd.scan.msk.s32 $0xffff, v5;
	_ =	sdelay $0x5  }
0x67: {  	v5, _, _ =	vpop (xrf0)  }
0x68: {  	(v2sf) =	vpush v5, $0xF;
	_ =	sdelay $0xe  }
0x69: {  	s2 =	spop (v2sf)  }
0x6a: {  	s0 =	sand.u32 $0xFFFFF80, s2  }
0x6b: {  	s11 =	simm.s32 $0x5200;
	s0 =	sadd.s32 s1, s0  }
0x6c: {  	[tilespmem:s11], [sflag:$0x6] =	stream.linear.gather [hbm4b:s0+s3], $0x400, $0x38;
	[tilespmem:$0xC200] =	vst v63  }
0x6d: {  	s26 =	simm.s32 $0x5600;
	s12 =	sadd.s32 $0xF4280, s0  }
0x6e: {  	[tilespmem:s26], [sflag:$0x6] =	stream.linear.gather [hbm4b:s12+s3], $0x400, $0x38;
	[tilespmem:$0xC200] =	vst v63  }
0x6f: {  	s12 =	sadd.s32 $0x1E8500, s0;
	s26 =	simm.s32 $0x5A00  }
0x70: {  	[tilespmem:s26], [sflag:$0x6] =	stream.linear.gather [hbm4b:s12+s3], $0x400, $0x38;
	[tilespmem:$0xC200] =	vst v63  }
0x71: {  	s11 =	simm.s32 $0x5E00;
	s0 =	sadd.s32 $0x2DC780, s0  }
0x72: {  	[tilespmem:s11], [sflag:$0x6] =	stream.linear.gather [hbm4b:s0+s3], $0x400, $0x38;
	[tilespmem:$0xC200] =	vst v63  }
0x73: {  	v5 =	vld [tilespmem:$0x0];
	_ =	sdelay $0x4  }
0x74: {  	v5 =	vsel vm6, $0x0, v5  }
0x75: {  	(xrf0) =	vadd.scan.msk.s32 $0xffff, v5;
	_ =	sdelay $0x5  }
0x76: {  	v5, _, _ =	vpop (xrf0)  }
0x77: {  	(v2sf) =	vpush v5, $0xF;
	_ =	sdelay $0xe  }
0x78: {  	s12 =	spop (v2sf)  }
0x79: {  	s0 =	sand.u32 $0xFFFFF80, s12  }
0x7a: {  	s0 =	sadd.s32 s1, s0  }
0x7b: {  	[tilespmem:s13], [sflag:$0x7] =	stream.linear.gather [hbm4b:s0+s3], $0x400, $0x38;
	[tilespmem:$0xC200] =	vst v63  }
0x7c: {  	s26 =	sadd.s32 $0xF4280, s0  }
0x7d: {  	[tilespmem:s14], [sflag:$0x7] =	stream.linear.gather [hbm4b:s26+s3], $0x400, $0x38;
	[tilespmem:$0xC200] =	vst v63  }
0x7e: {  	s11 =	sadd.s32 $0x1E8500, s0  }
0x7f: {  	[tilespmem:s15], [sflag:$0x7] =	stream.linear.gather [hbm4b:s11+s3], $0x400, $0x38;
	[tilespmem:$0xC200] =	vst v63  }
0x80: {  	s0 =	sadd.s32 $0x2DC780, s0  }
0x81: {  	[tilespmem:s16], [sflag:$0x7] =	stream.linear.gather [hbm4b:s0+s3], $0x400, $0x38;
	[tilespmem:$0xC200] =	vst v63  }
0x82: {  	v5 =	vld [tilespmem:$0x0];
	_ =	sdelay $0x4  }
0x83: {  	v5 =	vsel vm7, $0x0, v5  }
0x84: {  	(xrf0) =	vadd.scan.msk.s32 $0xffff, v5;
	_ =	sdelay $0x5  }
0x85: {  	v5, _, _ =	vpop (xrf0)  }
0x86: {  	(v2sf) =	vpush v5, $0xF;
	_ =	sdelay $0xe  }
0x87: {  	s12 =	spop (v2sf)  }
0x88: {  	s0 =	sand.u32 $0xFFFFF80, s12  }
0x89: {  	s0 =	sadd.s32 s1, s0  }
0x8a: {  	[tilespmem:s17], [sflag:$0x8] =	stream.linear.gather [hbm4b:s0+s3], $0x400, $0x38;
	[tilespmem:$0xC200] =	vst v63  }
0x8b: {  	s26 =	sadd.s32 $0xF4280, s0  }
0x8c: {  	[tilespmem:s18], [sflag:$0x8] =	stream.linear.gather [hbm4b:s26+s3], $0x400, $0x38;
	[tilespmem:$0xC200] =	vst v63  }
0x8d: {  	s11 =	sadd.s32 $0x1E8500, s0  }
0x8e: {  	[tilespmem:s19], [sflag:$0x8] =	stream.linear.gather [hbm4b:s11+s3], $0x400, $0x38;
	[tilespmem:$0xC200] =	vst v63  }
0x8f: {  	s0 =	sadd.s32 $0x2DC780, s0  }
0x90: {  	[tilespmem:s20], [sflag:$0x8] =	stream.linear.gather [hbm4b:s0+s3], $0x400, $0x38;
	[tilespmem:$0xC200] =	vst v63  }
0x91: {  	s0 =	sand.u32 $0x7, s3  }
0x92: {  	s26 =	sadd.s32 $0x1, s0  }
0x93: {  	_ =	swait.ge [sflag:s26], $0x400  }
0x94: {  	[sflag:s26] =	ssyncset.done $0x0  }
0x95: {  	[sflag:s26] =	ssyncadd.s32 $0xFFFFFC00  }
0x96: {  	_ =	swait.ge [sflag:s26], $0x400  }
0x97: {  	[sflag:s26] =	ssyncset.done $0x0  }
0x98: {  	[sflag:s26] =	ssyncadd.s32 $0xFFFFFC00  }
0x99: {  	_ =	swait.ge [sflag:s26], $0x400  }
0x9a: {  	[sflag:s26] =	ssyncset.done $0x0  }
0x9b: {  	[sflag:s26] =	ssyncadd.s32 $0xFFFFFC00  }
0x9c: {  	_ =	swait.ge [sflag:s26], $0x400  }
0x9d: {  	[sflag:s26] =	ssyncset.done $0x0  }
0x9e: {  	s12 =	sand.u32 $0x1F0, s3;
	[sflag:s26] =	ssyncadd.s32 $0xFFFFFC00  }
0x9f: {  	v5 =	vld [tilespmem:s12+$0x0];
	_ =	sdelay $0x1  }
0xa0: {  	s11 =	sand.u32 $0xF, s3  }
0xa1: {  	v6 =	vmov s11  }
0xa2: {  	vm8 =	veq.s32 v6, v0  }
0xa3: {  	v5 =	vnsel vm8, $0x0, v5  }
0xa4: {  	(xrf0) =	vadd.scan.msk.s32 $0xffff, v5;
	_ =	sdelay $0x5  }
0xa5: {  	v5, _, _ =	vpop (xrf0)  }
0xa6: {  	(v2sf) =	vpush v5, $0xF;
	_ =	sdelay $0xe  }
0xa7: {  	s12 =	spop (v2sf)  }
0xa8: {  	s2 =	sand.u32 $0x7F, s12  }
0xa9: {  	v5 =	vor.u32 s2, v1  }
0xaa: {  	v6 =	vmov s3  }
0xab: {  	v7 =	vshll.u32 v6, $0x3  }
0xac: {  	s0 =	sshll.u32 s0, $0xC;
	v6 =	vand.u32 $0x7F, v6;
	v7 =	vand.u32 $0xC00, v7  }
0xad: {  	s28 =	sor.u32 $0x200, s0;
	v6 =	vor.u32 v6, v7  }
0xae: {  	v7 =	vor.u32 v2, v6;
	v5 =	vld.idx.msk [tilespmem:v5+s28+$0x0], $0xffff  }
0xaf: {  	v8 =	vor.u32 s2, v4;
	_ =	sdelay $0x3  }
0xb0: {  	[tilespmem:v7+s21+$0x0] =	vst.idx.msk $0xffff, v5  }
0xb1: {  	v6 =	vor.u32 v3, v6;
	v5 =	vld.idx.msk [tilespmem:v8+s28+$0x0], $0xffff;
	_ =	sdelay $0x2  }
0xb2: {  	p1 =	por $0x0, $0x0  }
0xb3: {  	s2 =	simm.s32 @!p1 $0x8  }
0xb4: {  	s29 =	sand.u32 @!p1 $0x3F0, s2;
	[tilespmem:v6+s21+$0x0] =	vst.idx.msk $0xffff, v5  }
0xb5: {  	v5 =	vld @!p1 [tilespmem:s29+$0x0];
	_ =	sdelay $0x1  }
0xb6: {  	s2 =	sand.u32 @!p1 $0xF, s2  }
0xb7: {  	v7 =	vlaneseq.u32 @!p1;
	v6 =	vmov @!p1 s2  }
0xb8: {  	vm8 =	veq.s32 @!p1 v6, v7  }
0xb9: {  	v5 =	vnsel @!p1 vm8, $0x0, v5  }
0xba: {  	(xrf0) =	vadd.scan.msk.s32 @!p1 $0xffff, v5;
	_ =	sdelay $0x5  }
0xbb: {  	v5, _, _ =	vpop @!p1 (xrf0)  }
0xbc: {  	(v2sf) =	vpush @!p1 v5, $0xF;
	_ =	sdelay $0xe  }
0xbd: {  	s2 =	spop @!p1 (v2sf)  }
0xbe: {  	s2 =	sand.u32 @!p1 $0xFFFFF80, s2  }
0xbf: {  	s31 =	simm.s32 @!p1 $0x0;
	s2 =	sadd.s32 @!p1 s1, s2  }
0xc0: {  	[tilespmem:s28], [sflag:s26] =	stream.linear.gather @!p1 [hbm4b:s2+s31], $0x400, $0x38;
	[tilespmem:$0xC200] =	vst v63  }
0xc1: {  	s28 =	sadd.s32 @!p1 $0x600, s0;
	s29 =	sadd.s32 @!p1 $0xF4280, s2;
	s30 =	sadd.s32 @!p1 $0x1E8500, s2  }
0xc2: {  	[tilespmem:s28], [sflag:s26] =	stream.linear.gather @!p1 [hbm4b:s29+s31], $0x400, $0x38;
	[tilespmem:$0xC200] =	vst v63  }
0xc3: {  	s2 =	sadd.s32 @!p1 $0x2DC780, s2;
	s28 =	simm.s32 $0x1;
	s29 =	sadd.s32 @!p1 $0xA00, s0  }
0xc4: {  	[tilespmem:s29], [sflag:s26] =	stream.linear.gather @!p1 [hbm4b:s30+s31], $0x400, $0x38;
	[tilespmem:$0xC200] =	vst v63  }
0xc5: {  	s0 =	sadd.s32 @!p1 $0xE00, s0;
	s29 =	sand.u32 $0x7, s28;
	s30 =	simm.s32 $0x2  }
.LBB2_2:
0xc6: {  	[tilespmem:s0], [sflag:s26] =	stream.linear.gather @!p1 [hbm4b:s2+s31], $0x400, $0x38;
	[tilespmem:$0xC200] =	vst v63  }
0xc7: {  	s31 =	smov.u32 s30  }
0xc8: {  	s30 =	sadd.s32 $0x1, s30;
	s26 =	sadd.s32 $0x1, s29;
	s2 =	sand.u32 $0x7, s31  }
0xc9: {  	p0 =	sne.s32 s30, $0x200;
	_ =	swait.ge [sflag:s26], $0x400  }
0xca: {  	[sflag:s26] =	ssyncset.done $0x0  }
0xcb: {  	[sflag:s26] =	ssyncadd.s32 $0xFFFFFC00  }
0xcc: {  	_ =	swait.ge [sflag:s26], $0x400  }
0xcd: {  	[sflag:s26] =	ssyncset.done $0x0  }
0xce: {  	[sflag:s26] =	ssyncadd.s32 $0xFFFFFC00  }
0xcf: {  	_ =	swait.ge [sflag:s26], $0x400  }
0xd0: {  	[sflag:s26] =	ssyncset.done $0x0  }
0xd1: {  	[sflag:s26] =	ssyncadd.s32 $0xFFFFFC00  }
0xd2: {  	_ =	swait.ge [sflag:s26], $0x400  }
0xd3: {  	[sflag:s26] =	ssyncset.done $0x0  }
0xd4: {  	s0 =	sand.u32 $0x1F0, s28;
	[sflag:s26] =	ssyncadd.s32 $0xFFFFFC00  }
0xd5: {  	v5 =	vld [tilespmem:s0+$0x0];
	_ =	sdelay $0x1  }
0xd6: {  	s0 =	sand.u32 $0xF, s28  }
0xd7: {  	v6 =	vmov s0  }
0xd8: {  	vm8 =	veq.s32 v6, v0  }
0xd9: {  	v5 =	vnsel vm8, $0x0, v5  }
0xda: {  	(xrf0) =	vadd.scan.msk.s32 $0xffff, v5;
	_ =	sdelay $0x5  }
0xdb: {  	v5, _, _ =	vpop (xrf0)  }
0xdc: {  	(v2sf) =	vpush v5, $0xF;
	_ =	sdelay $0xe  }
0xdd: {  	s0 =	spop (v2sf)  }
0xde: {  	s11 =	sand.u32 $0x7F, s0  }
0xdf: {  	v5 =	vor.u32 s11, v1;
	_ =	sdelay $0x1  }
0xe0: {  	v6 =	vmov s28  }
0xe1: {  	v7 =	vshll.u32 v6, $0x3;
	s0 =	sshll.u32 s29, $0xC;
	s29 =	smov.u32 s2  }
0xe2: {  	v6 =	vand.u32 $0x7F, v6;
	v7 =	vand.u32 $0xC00, v7;
	s2 =	sor.u32 $0x200, s0  }
0xe3: {  	v6 =	vor.u32 v6, v7;
	v5 =	vld.idx.msk [tilespmem:v5+s2+$0x0], $0xffff  }
0xe4: {  	v7 =	vor.u32 v2, v6  }
0xe5: {  	v8 =	vor.u32 s11, v4;
	_ =	sdelay $0x3  }
0xe6: {  	[tilespmem:v7+s21+$0x0] =	vst.idx.msk $0xffff, v5  }
0xe7: {  	v5 =	vld.idx.msk [tilespmem:v8+s2+$0x0], $0xffff  }
0xe8: {  	v6 =	vor.u32 v3, v6;
	_ =	sdelay $0x2  }
0xe9: {  	p1 =	sgt.u32 s28, $0x1F7  }
0xea: {  	s11 =	sadd.s32 @!p1 $0x8, s28;
	s28 =	smov.u32 s31  }
0xeb: {  	s31 =	sand.u32 @!p1 $0x3F0, s11;
	s11 =	sand.u32 @!p1 $0xF, s11;
	[tilespmem:v6+s21+$0x0] =	vst.idx.msk $0xffff, v5  }
0xec: {  	v7 =	vlaneseq.u32 @!p1;
	v6 =	vmov @!p1 s11;
	v5 =	vld @!p1 [tilespmem:s31+$0x0]  }
0xed: {  	vm8 =	veq.s32 @!p1 v6, v7;
	_ =	sdelay $0x3  }
0xee: {  	v5 =	vnsel @!p1 vm8, $0x0, v5  }
0xef: {  	(xrf0) =	vadd.scan.msk.s32 @!p1 $0xffff, v5;
	_ =	sdelay $0x5  }
0xf0: {  	v5, _, _ =	vpop @!p1 (xrf0)  }
0xf1: {  	(v2sf) =	vpush @!p1 v5, $0xF;
	_ =	sdelay $0xe  }
0xf2: {  	s11 =	spop @!p1 (v2sf)  }
0xf3: {  	s11 =	sand.u32 @!p1 $0xFFFFF80, s11  }
0xf4: {  	s31 =	simm.s32 @!p1 $0x0;
	s11 =	sadd.s32 @!p1 s1, s11  }
0xf5: {  	[tilespmem:s2], [sflag:s26] =	stream.linear.gather @!p1 [hbm4b:s11+s31], $0x400, $0x38;
	[tilespmem:$0xC200] =	vst v63  }
.Ltmp0:
0xf6: {  	s2 =	sadd.s32 @!p1 $0x600, s0;
	s12 =	sadd.s32 @!p1 $0xF4280, s11;
	(pc) =	sbr.rel @p0 .LBB2_2-.Ltmp0, $4  }
0xf7: {  	[tilespmem:s2], [sflag:s26] =	stream.linear.gather @!p1 [hbm4b:s12+s31], $0x400, $0x38;
	[tilespmem:$0xC200] =	vst v63  }
0xf8: {  	s2 =	sadd.s32 @!p1 $0xA00, s0;
	s12 =	sadd.s32 @!p1 $0x1E8500, s11  }
0xf9: {  	[tilespmem:s2], [sflag:s26] =	stream.linear.gather @!p1 [hbm4b:s12+s31], $0x400, $0x38;
	[tilespmem:$0xC200] =	vst v63  }
0xfa: {  	s0 =	sadd.s32 @!p1 $0xE00, s0;
	s2 =	sadd.s32 @!p1 $0x2DC780, s11  }
0xfb: {  	[tilespmem:s0], [sflag:s26] =	stream.linear.gather @!p1 [hbm4b:s2+s31], $0x400, $0x38;
	[tilespmem:$0xC200] =	vst v63  }
0xfc: {  	s0 =	sadd.s32 $0x1, s29  }
0xfd: {  	_ =	swait.ge [sflag:s0], $0x400  }
0xfe: {  	[sflag:s0] =	ssyncset.done $0x0  }
0xff: {  	[sflag:s0] =	ssyncadd.s32 $0xFFFFFC00  }
0x100: {  	_ =	swait.ge [sflag:s0], $0x400  }
0x101: {  	[sflag:s0] =	ssyncset.done $0x0  }
0x102: {  	[sflag:s0] =	ssyncadd.s32 $0xFFFFFC00  }
0x103: {  	_ =	swait.ge [sflag:s0], $0x400  }
0x104: {  	[sflag:s0] =	ssyncset.done $0x0  }
0x105: {  	[sflag:s0] =	ssyncadd.s32 $0xFFFFFC00  }
0x106: {  	_ =	swait.ge [sflag:s0], $0x400  }
0x107: {  	[sflag:s0] =	ssyncset.done $0x0  }
0x108: {  	s26 =	sand.u32 $0x1F0, s28;
	[sflag:s0] =	ssyncadd.s32 $0xFFFFFC00  }
0x109: {  	v5 =	vld [tilespmem:s26+$0x0];
	_ =	sdelay $0x1  }
0x10a: {  	s30 =	sand.u32 $0xF, s28  }
0x10b: {  	v6 =	vmov s30  }
0x10c: {  	vm8 =	veq.s32 v6, v0  }
0x10d: {  	v5 =	vnsel vm8, $0x0, v5  }
0x10e: {  	(xrf0) =	vadd.scan.msk.s32 $0xffff, v5;
	_ =	sdelay $0x5  }
0x10f: {  	v5, _, _ =	vpop (xrf0)  }
0x110: {  	(v2sf) =	vpush v5, $0xF;
	_ =	sdelay $0xe  }
0x111: {  	s31 =	spop (v2sf)  }
0x112: {  	s2 =	sand.u32 $0x7F, s31  }
0x113: {  	v5 =	vor.u32 s2, v1  }
0x114: {  	v6 =	vmov s28  }
0x115: {  	v7 =	vshll.u32 v6, $0x3  }
0x116: {  	s11 =	sshll.u32 s29, $0xC;
	v6 =	vand.u32 $0x7F, v6;
	v7 =	vand.u32 $0xC00, v7  }
0x117: {  	s12 =	sor.u32 $0x200, s11;
	v6 =	vor.u32 v6, v7  }
0x118: {  	v7 =	vor.u32 v2, v6;
	v5 =	vld.idx.msk [tilespmem:v5+s12+$0x0], $0xffff  }
0x119: {  	v8 =	vor.u32 s2, v4;
	_ =	sdelay $0x3  }
0x11a: {  	[tilespmem:v7+s21+$0x0] =	vst.idx.msk $0xffff, v5  }
0x11b: {  	v6 =	vor.u32 v3, v6;
	v5 =	vld.idx.msk [tilespmem:v8+s12+$0x0], $0xffff;
	_ =	sdelay $0x2  }
0x11c: {  	p0 =	sgt.u32 s28, $0x1F7  }
0x11d: {  	s2 =	sadd.s32 @!p0 $0x8, s28  }
0x11e: {  	s26 =	sand.u32 @!p0 $0x3F0, s2;
	[tilespmem:v6+s21+$0x0] =	vst.idx.msk $0xffff, v5  }
0x11f: {  	v5 =	vld @!p0 [tilespmem:s26+$0x0];
	_ =	sdelay $0x1  }
0x120: {  	s2 =	sand.u32 @!p0 $0xF, s2  }
0x121: {  	v7 =	vlaneseq.u32 @!p0;
	v6 =	vmov @!p0 s2  }
0x122: {  	vm8 =	veq.s32 @!p0 v6, v7  }
0x123: {  	v5 =	vnsel @!p0 vm8, $0x0, v5  }
0x124: {  	(xrf0) =	vadd.scan.msk.s32 @!p0 $0xffff, v5;
	_ =	sdelay $0x5  }
0x125: {  	v5, _, _ =	vpop @!p0 (xrf0)  }
0x126: {  	(v2sf) =	vpush @!p0 v5, $0xF;
	_ =	sdelay $0xe  }
0x127: {  	s2 =	spop @!p0 (v2sf)  }
0x128: {  	s2 =	sand.u32 @!p0 $0xFFFFF80, s2  }
0x129: {  	s26 =	simm.s32 @!p0 $0x0;
	s2 =	sadd.s32 @!p0 s1, s2  }
0x12a: {  	[tilespmem:s12], [sflag:s0] =	stream.linear.gather @!p0 [hbm4b:s2+s26], $0x400, $0x38;
	[tilespmem:$0xC200] =	vst v63  }
0x12b: {  	s12 =	sadd.s32 @!p0 $0x600, s11;
	s28 =	sadd.s32 @!p0 $0xF4280, s2  }
0x12c: {  	[tilespmem:s12], [sflag:s0] =	stream.linear.gather @!p0 [hbm4b:s28+s26], $0x400, $0x38;
	[tilespmem:$0xC200] =	vst v63  }
0x12d: {  	s12 =	sadd.s32 @!p0 $0xA00, s11;
	s28 =	sadd.s32 @!p0 $0x1E8500, s2  }
0x12e: {  	[tilespmem:s12], [sflag:s0] =	stream.linear.gather @!p0 [hbm4b:s28+s26], $0x400, $0x38;
	[tilespmem:$0xC200] =	vst v63  }
0x12f: {  	s11 =	sadd.s32 @!p0 $0xE00, s11;
	s2 =	sadd.s32 @!p0 $0x2DC780, s2  }
0x130: {  	[tilespmem:s11], [sflag:s0] =	stream.linear.gather @!p0 [hbm4b:s2+s26], $0x400, $0x38;
	[tilespmem:$0xC200] =	vst v63  }
0x131: {  	_ = 	snop  }
0x132: {  	[hbm4b:s5+s3] =	stream.linear.scatter [tilespmem:s21], [sflag:$0x9], $0x1000, $0x38;
	[tilespmem:$0xC200] =	vst v63  }
0x133: {  	_ =	swait.ge [sflag:s10], $0x1000  }
0x134: {  	[sflag:s10] =	ssyncset.done $0x0  }
0x135: {  	[sflag:s10] =	ssyncadd.s32 $0xFFFFF000  }
0x136: {  	[hbm4b:s6+s3] =	stream.linear.scatter [tilespmem:s22], [sflag:$0x9], $0x1000, $0x38;
	[tilespmem:$0xC200] =	vst v63  }
0x137: {  	_ =	swait.ge [sflag:s10], $0x1000  }
0x138: {  	[sflag:s10] =	ssyncset.done $0x0  }
0x139: {  	[sflag:s10] =	ssyncadd.s32 $0xFFFFF000  }
0x13a: {  	[hbm4b:s7+s3] =	stream.linear.scatter [tilespmem:s23], [sflag:$0x9], $0x1000, $0x38;
	[tilespmem:$0xC200] =	vst v63  }
0x13b: {  	s25 =	sadd.s32 $0x1, s25;
	_ =	swait.ge [sflag:s10], $0x1000  }
0x13c: {  	p0 =	sne.s32 s25, s9;
	[sflag:s10] =	ssyncset.done $0x0  }
.Ltmp1:
0x13d: {  	[sflag:s10] =	ssyncadd.s32 $0xFFFFF000;
	(pc) =	sbr.rel @p0 .LBB2_1-.Ltmp1, $4  }
0x13e: {  	[hbm4b:s8+s3] =	stream.linear.scatter [tilespmem:s24], [sflag:$0x9], $0x1000, $0x38;
	[tilespmem:$0xC200] =	vst v63  }
0x13f: {  	_ =	swait.ge [sflag:s10], $0x1000  }
0x140: {  	[sflag:s10] =	ssyncset.done $0x0  }
0x141: {  	[sflag:s10] =	ssyncadd.s32 $0xFFFFF000  }
0x142: {  	_ =	sfence.sel $0x180000  }
0x143: {  	[bflag:$0x0] =	sbarrier.arrive $0xFFFF  }
0x144: {  	_ =	strace $0x90000047  }
0x145: {  	s0 =	stileid.u32;
	[bflag:$0x2] =	sbarrier.arrive $0xFFFF  }
0x146: {  	p0 =	sne.s32 s0, $0x0;
	s0 =	rddreg [dreg:$0x3]  }
0x147: {  	s0 =	sadd.s32 @!p0 $0x100000, s0  }
0x148: {  	[sflag:s0] =	ssyncadd.tile.s32 @!p0 $0x1;
	_ =	shalt  }
.Lfunc_end2:
_tile_overlayer_lowered:
.L_overlay_start_2:
0x149: {  	(tag) =	ssettag $0x2  }
0x14a: {  	s0 =	rddreg [dreg:$0x0];
	s2 =	stileid.u32  }
0x14b: {  	s1 =	rddreg [dreg:$0x1];
	p0 =	sne.s32 s2, $0x0  }
0x14c: {  	s3 =	rddreg [dreg:$0x2];
	[bflag:$0x3] =	sbarrier.arrive $0xFFFF;
	s2 =	simm.s32 @!p0 $0x1C09  }
0x14d: {  	[timem:s3], [sflag:s2] =	dma.local @!p0 [hbm:s0], s1  }
0x14e: {  	s0 =	simm.s32 @!p0 $0x9  }
0x14f: {  	_ =	swait.ge @!p0 [sflag:s0], s1  }
0x150: {  	s1 =	ssub.s32 @!p0 $0x0, s1;
	[sflag:s0] =	ssyncset.done @!p0 $0x0  }
0x151: {  	[sflag:s0] =	ssyncadd.s32 @!p0 s1  }
0x152: {  	[bflag:$0x3] =	sbarrier.arrive $0xFFFF  }
0x153: {  	_ =	shalt  }

</sc_bundles>
